<compile_context>
chip_gen: v7x
topology: tpu7x:2x2x1
jax: 0.10.2.dev20260603
libtpu: 0.0.44.dev20260713+nightly
codegen_flags: <defaults>
</compile_context>

<pallas_src>
import functools

import jax
import jax.numpy as jnp
from jax import lax
from jax.experimental import pallas as pl
from jax.experimental.pallas import tpu as pltpu
from jax.experimental.pallas import tpu_sc as plsc

VOCAB = 256
EMBED_DIM = 100
DPAD = 128

NC = 2
NS = 16
NW = NC * NS

G = 128
CHUNK = G
NBUF = 4


def _emb_kernel(n_chunks_per_w):
    n_iter = n_chunks_per_w // NBUF

    def body(idx_hbm, table_hbm, out_hbm, idx_v, rows_v, tab_sh, idx_sem,
             gat_sem, out_sem):
        s = lax.axis_index("s")
        wid = s * NC + lax.axis_index("c")
        base = wid * n_chunks_per_w
        bias = s * VOCAB

        @pl.when(s == 0)
        def _():
            pltpu.sync_copy(table_hbm, tab_sh)
        plsc.subcore_barrier()

        def drain_idx(b):
            pltpu.make_async_copy(idx_hbm.at[0], idx_v.at[b],
                                  idx_sem.at[b]).wait()

        def drain_gat(b):
            pltpu.make_async_copy(out_hbm.at[pl.ds(0, CHUNK)], rows_v.at[b],
                                  gat_sem.at[b]).wait()

        def drain_out(b):
            pltpu.make_async_copy(rows_v.at[b], out_hbm.at[pl.ds(0, CHUNK)],
                                  out_sem.at[b]).wait()

        def bias_idx(b):
            for k in range(G // 16):
                idx_v.at[b][0, pl.ds(k * 16, 16)] = \
                    idx_v.at[b][0, pl.ds(k * 16, 16)] + bias

        def fetch_idx(g, b):
            pltpu.async_copy(idx_hbm.at[base + g], idx_v.at[b],
                             idx_sem.at[b])

        def fire_gather(b):
            pltpu.async_copy(tab_sh.at[idx_v.at[b].at[0]], rows_v.at[b],
                             gat_sem.at[b])

        def fire_writeback(g, b):
            pltpu.async_copy(rows_v.at[b],
                             out_hbm.at[pl.ds((base + g) * CHUNK, CHUNK)],
                             out_sem.at[b])

        for b in range(NBUF):
            fetch_idx(b, b)

        def loop_body(t, carry):
            for b in range(NBUF):
                g = t * NBUF + b
                drain_idx(b)

                @pl.when(t > 0)
                def _():
                    drain_out(b)

                bias_idx(b)
                fire_gather(b)

                b2 = (b - 2) % NBUF

                def complete(gp):
                    drain_gat(b2)
                    fire_writeback(gp, b2)

                if b >= 2:
                    complete(g - 2)

                    @pl.when(t < n_iter - 1)
                    def _():
                        fetch_idx(g + 2, b2)
                else:
                    @pl.when(t > 0)
                    def _():
                        complete(g - 2)
                        fetch_idx(g + 2, b2)
            return carry

        lax.fori_loop(0, n_iter, loop_body, 0)
        last = n_chunks_per_w
        for gp in (last - 2, last - 1):
            b2 = gp % NBUF
            drain_gat(b2)
            fire_writeback(gp, b2)
        for b in range(NBUF):
            drain_out(b)

    return body


def kernel(x, table):
    B, S = x.shape
    n = B * S
    assert n % (NW * CHUNK * NBUF) == 0
    n_chunks_per_w = n // (NW * CHUNK)

    idx = x.reshape(n // CHUNK, 1, G).astype(jnp.int32)
    table_p = jnp.tile(jnp.pad(table, ((0, 0), (0, DPAD - EMBED_DIM))),
                       (NS, 1))

    mesh = plsc.VectorSubcoreMesh(core_axis_name="c", subcore_axis_name="s")
    run = functools.partial(
        pl.kernel,
        mesh=mesh,
        out_type=jax.ShapeDtypeStruct((n, DPAD), jnp.float32),
        scratch_types=[
            pltpu.VMEM((NBUF, 1, G), jnp.int32),
            pltpu.VMEM((NBUF, CHUNK, DPAD), jnp.float32),
            pltpu.VMEM_SHARED((NS * VOCAB, DPAD), jnp.float32),
            pltpu.SemaphoreType.DMA((NBUF,)),
            pltpu.SemaphoreType.DMA((NBUF,)),
            pltpu.SemaphoreType.DMA((NBUF,)),
        ],
        compiler_params=pltpu.CompilerParams(use_tc_tiling_on_sc=False),
    )(_emb_kernel(n_chunks_per_w))

    out = run(idx, table_p)
    return out.reshape(B, S, DPAD)[:, :, :EMBED_DIM]

# --- scband reference (transcript-rebuilt; emitter-appended) ---
"""Pipeline reference for scband-byte-embedding-model-90924457656414 (READ-ONLY COPY).

The authoritative reference and input builder live on the scoring server;
editing this copy changes nothing except your own understanding.
"""

import jax, jax.numpy as jnp
import numpy as np

VOCAB = 256
EMBED_DIM = 100
BATCH = 16384
SEQ = 200

def setup_inputs(seed: int = 0) -> dict:
    key = jax.random.key(seed)
    k1, k2 = jax.random.split(key)
    x = jax.random.randint(k1, (BATCH, SEQ), 0, VOCAB, dtype=jnp.int64 if jax.config.read('jax_enable_x64') else jnp.int32)
    table = jax.random.normal(k2, (VOCAB, EMBED_DIM), dtype=jnp.float32)
    return {"x": x, "table": table}

def reference(x, table):
    # torch.nn.Embedding forward: gather rows of the table by index
    return jnp.take(table, x, axis=0)

if __name__ == "__main__":
    import jax
    _d = setup_inputs()
    print(jax.jit(kernel)(*tuple(_d.values())))

</pallas_src>

<mosaic_0001>
#map = affine_map<(d0, d1) -> (0, 0, 0)>
#map1 = affine_map<(d0, d1) -> (0, 0)>
module attributes {stable_mosaic.version = 14 : i64} {
  func.func @body(%arg0: i32, %arg1: i32, %arg2: memref<25600x1x128xi32, #tpu.memory_space<hbm>>, %arg3: memref<4096x128xf32, #tpu.memory_space<hbm>>, %arg4: memref<3276800x128xf32, #tpu.memory_space<hbm>>, %arg5: memref<4x1x128xi32, #tpu.memory_space<vmem>>, %arg6: memref<4x128x128xf32, #tpu.memory_space<vmem>>, %arg7: memref<4096x128xf32, #tpu.memory_space<vmem_shared>>, %arg8: memref<4x!tpu.dma_semaphore, #tpu.memory_space<semaphore_mem>>, %arg9: memref<4x!tpu.dma_semaphore, #tpu.memory_space<semaphore_mem>>, %arg10: memref<4x!tpu.dma_semaphore, #tpu.memory_space<semaphore_mem>>) attributes {dimension_semantics = [#tpu.dimension_semantics<core_parallel>, #tpu.dimension_semantics<subcore_parallel>], iteration_bounds = array<i64: 2, 16>, scalar_prefetch = 0 : i64, scratch_operands = 6 : i64, tpu.core_type = #tpu.core_type<sc_vector_subcore>, window_params = [{transform_indices = #map}, {transform_indices = #map1}, {transform_indices = #map1}]} {
    %mul3A = arith.constant 2 : i32
    %mul3A_0 = arith.muli %arg1, %mul3A : i32
    %add3A = arith.addi %mul3A_0, %arg0 : i32
    %mul3A_1 = arith.constant 800 : i32
    %mul3A_2 = arith.muli %add3A, %mul3A_1 : i32
    %mul3A_3 = arith.constant 256 : i32
    %mul3A_4 = arith.muli %arg1, %mul3A_3 : i32
    %eq3A = arith.constant 0 : i32
    %eq3A_5 = arith.cmpi eq, %arg1, %eq3A : i32
    %convert_element_type3A = arith.extui %eq3A_5 : i1 to i32
    %cond3A = arith.constant 0 : i32
    %cond3A_6 = arith.cmpi ne, %convert_element_type3A, %cond3A : i32
    scf.if %cond3A_6 {
      "tpu.region"() ({
        %run_scoped3A = tpu.sem_alloc : memref<!tpu.dma_semaphore, #tpu.memory_space<semaphore_mem>>
        tpu.enqueue_dma source(%arg3 : memref<4096x128xf32, #tpu.memory_space<hbm>>) target(%arg7 : memref<4096x128xf32, #tpu.memory_space<vmem_shared>>) target_semaphore(%run_scoped3A : memref<!tpu.dma_semaphore, #tpu.memory_space<semaphore_mem>>)
        tpu.wait_dma2 semaphore(%run_scoped3A : memref<!tpu.dma_semaphore, #tpu.memory_space<semaphore_mem>>) src(%arg3 : memref<4096x128xf32, #tpu.memory_space<hbm>>) dst(%arg7 : memref<4096x128xf32, #tpu.memory_space<vmem_shared>>)
        tpu.yield
      }) : () -> ()
    } else {
    }
    %barrier3A = arith.constant 0 : index
    tpu.barrier barrier_id(%barrier3A)
    %add3A_7 = arith.constant 0 : i32
    %add3A_8 = arith.addi %mul3A_2, %add3A_7 : i32
    %dma_start3A = arith.constant 0 : i32
    %dma_start3A_9 = arith.constant 0 : i32
    %dma_start3A_10 = arith.constant 0 : i32
    %dma_start3A_11 = arith.constant 0 : i32
    %dma_start3A_12 = tpu.memref_slice %arg5[%dma_start3A, %dma_start3A_10, %dma_start3A_11] : memref<4x1x128xi32, #tpu.memory_space<vmem>> -> memref<1x1x128xi32, #tpu.memory_space<vmem>>
    %dma_start3A_13 = tpu.memref_squeeze %dma_start3A_12 : memref<1x1x128xi32, #tpu.memory_space<vmem>> -> memref<1x128xi32, #tpu.memory_space<vmem>>
    %dma_start3A_14 = arith.constant 0 : i32
    %dma_start3A_15 = arith.constant 0 : i32
    %dma_start3A_16 = tpu.memref_slice %arg2[%add3A_8, %dma_start3A_14, %dma_start3A_15] : memref<25600x1x128xi32, #tpu.memory_space<hbm>> -> memref<1x1x128xi32, #tpu.memory_space<hbm>>
    %dma_start3A_17 = tpu.memref_squeeze %dma_start3A_16 : memref<1x1x128xi32, #tpu.memory_space<hbm>> -> memref<1x128xi32, #tpu.memory_space<hbm>>
    %dma_start3A_18 = tpu.memref_slice %arg8[%dma_start3A_9] : memref<4x!tpu.dma_semaphore, #tpu.memory_space<semaphore_mem>> -> memref<1x!tpu.dma_semaphore, #tpu.memory_space<semaphore_mem>>
    %dma_start3A_19 = tpu.memref_squeeze %dma_start3A_18 : memref<1x!tpu.dma_semaphore, #tpu.memory_space<semaphore_mem>> -> memref<!tpu.dma_semaphore, #tpu.memory_space<semaphore_mem>>
    %dma_start3A_20 = arith.constant 0 : i32
    %dma_start3A_21 = arith.constant 0 : i32
    %dma_start3A_22 = tpu.memref_slice %arg5[%dma_start3A, %dma_start3A_20, %dma_start3A_21] : memref<4x1x128xi32, #tpu.memory_space<vmem>> -> memref<1x1x128xi32, #tpu.memory_space<vmem>>
    %dma_start3A_23 = tpu.memref_squeeze %dma_start3A_22 : memref<1x1x128xi32, #tpu.memory_space<vmem>> -> memref<1x128xi32, #tpu.memory_space<vmem>>
    %dma_start3A_24 = arith.constant 0 : i32
    %dma_start3A_25 = arith.constant 0 : i32
    %dma_start3A_26 = tpu.memref_slice %arg2[%add3A_8, %dma_start3A_24, %dma_start3A_25] : memref<25600x1x128xi32, #tpu.memory_space<hbm>> -> memref<1x1x128xi32, #tpu.memory_space<hbm>>
    %dma_start3A_27 = tpu.memref_squeeze %dma_start3A_26 : memref<1x1x128xi32, #tpu.memory_space<hbm>> -> memref<1x128xi32, #tpu.memory_space<hbm>>
    tpu.enqueue_dma source(%dma_start3A_27 : memref<1x128xi32, #tpu.memory_space<hbm>>) target(%dma_start3A_23 : memref<1x128xi32, #tpu.memory_space<vmem>>) target_semaphore(%dma_start3A_19 : memref<!tpu.dma_semaphore, #tpu.memory_space<semaphore_mem>>)
    %add3A_28 = arith.constant 1 : i32
    %add3A_29 = arith.addi %mul3A_2, %add3A_28 : i32
    %dma_start3A_30 = arith.constant 1 : i32
    %dma_start3A_31 = arith.constant 1 : i32
    %dma_start3A_32 = arith.constant 0 : i32
    %dma_start3A_33 = arith.constant 0 : i32
    %dma_start3A_34 = tpu.memref_slice %arg5[%dma_start3A_30, %dma_start3A_32, %dma_start3A_33] : memref<4x1x128xi32, #tpu.memory_space<vmem>> -> memref<1x1x128xi32, #tpu.memory_space<vmem>>
    %dma_start3A_35 = tpu.memref_squeeze %dma_start3A_34 : memref<1x1x128xi32, #tpu.memory_space<vmem>> -> memref<1x128xi32, #tpu.memory_space<vmem>>
    %dma_start3A_36 = arith.constant 0 : i32
    %dma_start3A_37 = arith.constant 0 : i32
    %dma_start3A_38 = tpu.memref_slice %arg2[%add3A_29, %dma_start3A_36, %dma_start3A_37] : memref<25600x1x128xi32, #tpu.memory_space<hbm>> -> memref<1x1x128xi32, #tpu.memory_space<hbm>>
    %dma_start3A_39 = tpu.memref_squeeze %dma_start3A_38 : memref<1x1x128xi32, #tpu.memory_space<hbm>> -> memref<1x128xi32, #tpu.memory_space<hbm>>
    %dma_start3A_40 = tpu.memref_slice %arg8[%dma_start3A_31] : memref<4x!tpu.dma_semaphore, #tpu.memory_space<semaphore_mem>> -> memref<1x!tpu.dma_semaphore, #tpu.memory_space<semaphore_mem>>
    %dma_start3A_41 = tpu.memref_squeeze %dma_start3A_40 : memref<1x!tpu.dma_semaphore, #tpu.memory_space<semaphore_mem>> -> memref<!tpu.dma_semaphore, #tpu.memory_space<semaphore_mem>>
    %dma_start3A_42 = arith.constant 0 : i32
    %dma_start3A_43 = arith.constant 0 : i32
    %dma_start3A_44 = tpu.memref_slice %arg5[%dma_start3A_30, %dma_start3A_42, %dma_start3A_43] : memref<4x1x128xi32, #tpu.memory_space<vmem>> -> memref<1x1x128xi32, #tpu.memory_space<vmem>>
    %dma_start3A_45 = tpu.memref_squeeze %dma_start3A_44 : memref<1x1x128xi32, #tpu.memory_space<vmem>> -> memref<1x128xi32, #tpu.memory_space<vmem>>
    %dma_start3A_46 = arith.constant 0 : i32
    %dma_start3A_47 = arith.constant 0 : i32
    %dma_start3A_48 = tpu.memref_slice %arg2[%add3A_29, %dma_start3A_46, %dma_start3A_47] : memref<25600x1x128xi32, #tpu.memory_space<hbm>> -> memref<1x1x128xi32, #tpu.memory_space<hbm>>
    %dma_start3A_49 = tpu.memref_squeeze %dma_start3A_48 : memref<1x1x128xi32, #tpu.memory_space<hbm>> -> memref<1x128xi32, #tpu.memory_space<hbm>>
    tpu.enqueue_dma source(%dma_start3A_49 : memref<1x128xi32, #tpu.memory_space<hbm>>) target(%dma_start3A_45 : memref<1x128xi32, #tpu.memory_space<vmem>>) target_semaphore(%dma_start3A_41 : memref<!tpu.dma_semaphore, #tpu.memory_space<semaphore_mem>>)
    %add3A_50 = arith.constant 2 : i32
    %add3A_51 = arith.addi %mul3A_2, %add3A_50 : i32
    %dma_start3A_52 = arith.constant 2 : i32
    %dma_start3A_53 = arith.constant 2 : i32
    %dma_start3A_54 = arith.constant 0 : i32
    %dma_start3A_55 = arith.constant 0 : i32
    %dma_start3A_56 = tpu.memref_slice %arg5[%dma_start3A_52, %dma_start3A_54, %dma_start3A_55] : memref<4x1x128xi32, #tpu.memory_space<vmem>> -> memref<1x1x128xi32, #tpu.memory_space<vmem>>
    %dma_start3A_57 = tpu.memref_squeeze %dma_start3A_56 : memref<1x1x128xi32, #tpu.memory_space<vmem>> -> memref<1x128xi32, #tpu.memory_space<vmem>>
    %dma_start3A_58 = arith.constant 0 : i32
    %dma_start3A_59 = arith.constant 0 : i32
    %dma_start3A_60 = tpu.memref_slice %arg2[%add3A_51, %dma_start3A_58, %dma_start3A_59] : memref<25600x1x128xi32, #tpu.memory_space<hbm>> -> memref<1x1x128xi32, #tpu.memory_space<hbm>>
    %dma_start3A_61 = tpu.memref_squeeze %dma_start3A_60 : memref<1x1x128xi32, #tpu.memory_space<hbm>> -> memref<1x128xi32, #tpu.memory_space<hbm>>
    %dma_start3A_62 = tpu.memref_slice %arg8[%dma_start3A_53] : memref<4x!tpu.dma_semaphore, #tpu.memory_space<semaphore_mem>> -> memref<1x!tpu.dma_semaphore, #tpu.memory_space<semaphore_mem>>
    %dma_start3A_63 = tpu.memref_squeeze %dma_start3A_62 : memref<1x!tpu.dma_semaphore, #tpu.memory_space<semaphore_mem>> -> memref<!tpu.dma_semaphore, #tpu.memory_space<semaphore_mem>>
    %dma_start3A_64 = arith.constant 0 : i32
    %dma_start3A_65 = arith.constant 0 : i32
    %dma_start3A_66 = tpu.memref_slice %arg5[%dma_start3A_52, %dma_start3A_64, %dma_start3A_65] : memref<4x1x128xi32, #tpu.memory_space<vmem>> -> memref<1x1x128xi32, #tpu.memory_space<vmem>>
    %dma_start3A_67 = tpu.memref_squeeze %dma_start3A_66 : memref<1x1x128xi32, #tpu.memory_space<vmem>> -> memref<1x128xi32, #tpu.memory_space<vmem>>
    %dma_start3A_68 = arith.constant 0 : i32
    %dma_start3A_69 = arith.constant 0 : i32
    %dma_start3A_70 = tpu.memref_slice %arg2[%add3A_51, %dma_start3A_68, %dma_start3A_69] : memref<25600x1x128xi32, #tpu.memory_space<hbm>> -> memref<1x1x128xi32, #tpu.memory_space<hbm>>
    %dma_start3A_71 = tpu.memref_squeeze %dma_start3A_70 : memref<1x1x128xi32, #tpu.memory_space<hbm>> -> memref<1x128xi32, #tpu.memory_space<hbm>>
    tpu.enqueue_dma source(%dma_start3A_71 : memref<1x128xi32, #tpu.memory_space<hbm>>) target(%dma_start3A_67 : memref<1x128xi32, #tpu.memory_space<vmem>>) target_semaphore(%dma_start3A_63 : memref<!tpu.dma_semaphore, #tpu.memory_space<semaphore_mem>>)
    %add3A_72 = arith.constant 3 : i32
    %add3A_73 = arith.addi %mul3A_2, %add3A_72 : i32
    %dma_start3A_74 = arith.constant 3 : i32
    %dma_start3A_75 = arith.constant 3 : i32
    %dma_start3A_76 = arith.constant 0 : i32
    %dma_start3A_77 = arith.constant 0 : i32
    %dma_start3A_78 = tpu.memref_slice %arg5[%dma_start3A_74, %dma_start3A_76, %dma_start3A_77] : memref<4x1x128xi32, #tpu.memory_space<vmem>> -> memref<1x1x128xi32, #tpu.memory_space<vmem>>
    %dma_start3A_79 = tpu.memref_squeeze %dma_start3A_78 : memref<1x1x128xi32, #tpu.memory_space<vmem>> -> memref<1x128xi32, #tpu.memory_space<vmem>>
    %dma_start3A_80 = arith.constant 0 : i32
    %dma_start3A_81 = arith.constant 0 : i32
    %dma_start3A_82 = tpu.memref_slice %arg2[%add3A_73, %dma_start3A_80, %dma_start3A_81] : memref<25600x1x128xi32, #tpu.memory_space<hbm>> -> memref<1x1x128xi32, #tpu.memory_space<hbm>>
    %dma_start3A_83 = tpu.memref_squeeze %dma_start3A_82 : memref<1x1x128xi32, #tpu.memory_space<hbm>> -> memref<1x128xi32, #tpu.memory_space<hbm>>
    %dma_start3A_84 = tpu.memref_slice %arg8[%dma_start3A_75] : memref<4x!tpu.dma_semaphore, #tpu.memory_space<semaphore_mem>> -> memref<1x!tpu.dma_semaphore, #tpu.memory_space<semaphore_mem>>
    %dma_start3A_85 = tpu.memref_squeeze %dma_start3A_84 : memref<1x!tpu.dma_semaphore, #tpu.memory_space<semaphore_mem>> -> memref<!tpu.dma_semaphore, #tpu.memory_space<semaphore_mem>>
    %dma_start3A_86 = arith.constant 0 : i32
    %dma_start3A_87 = arith.constant 0 : i32
    %dma_start3A_88 = tpu.memref_slice %arg5[%dma_start3A_74, %dma_start3A_86, %dma_start3A_87] : memref<4x1x128xi32, #tpu.memory_space<vmem>> -> memref<1x1x128xi32, #tpu.memory_space<vmem>>
    %dma_start3A_89 = tpu.memref_squeeze %dma_start3A_88 : memref<1x1x128xi32, #tpu.memory_space<vmem>> -> memref<1x128xi32, #tpu.memory_space<vmem>>
    %dma_start3A_90 = arith.constant 0 : i32
    %dma_start3A_91 = arith.constant 0 : i32
    %dma_start3A_92 = tpu.memref_slice %arg2[%add3A_73, %dma_start3A_90, %dma_start3A_91] : memref<25600x1x128xi32, #tpu.memory_space<hbm>> -> memref<1x1x128xi32, #tpu.memory_space<hbm>>
    %dma_start3A_93 = tpu.memref_squeeze %dma_start3A_92 : memref<1x1x128xi32, #tpu.memory_space<hbm>> -> memref<1x128xi32, #tpu.memory_space<hbm>>
    tpu.enqueue_dma source(%dma_start3A_93 : memref<1x128xi32, #tpu.memory_space<hbm>>) target(%dma_start3A_89 : memref<1x128xi32, #tpu.memory_space<vmem>>) target_semaphore(%dma_start3A_85 : memref<!tpu.dma_semaphore, #tpu.memory_space<semaphore_mem>>)
    %scan3A = arith.constant 0 : i32
    %scan3A_94 = arith.constant 0 : i32
    %scan3A_95 = arith.constant 200 : i32
    %scan3A_96 = arith.addi %scan3A_94, %scan3A_95 : i32
    %scan3A_97 = arith.constant 1 : i32
    scf.for %scan3A_246 = %scan3A_94 to %scan3A_96 step %scan3A_97  : i32 {
      %mul3A_247 = arith.constant 4 : i32
      %mul3A_248 = arith.muli %scan3A_246, %mul3A_247 : i32
      %add3A_249 = arith.constant 0 : i32
      %add3A_250 = arith.addi %mul3A_248, %add3A_249 : i32
      %dma_wait3A_251 = arith.constant 0 : i32
      %dma_wait3A_252 = arith.constant 0 : i32
      %dma_wait3A_253 = arith.constant 0 : i32
      %dma_wait3A_254 = arith.constant 0 : i32
      %dma_wait3A_255 = arith.constant 0 : i32
      %dma_wait3A_256 = tpu.memref_slice %arg5[%dma_wait3A_252, %dma_wait3A_254, %dma_wait3A_255] : memref<4x1x128xi32, #tpu.memory_space<vmem>> -> memref<1x1x128xi32, #tpu.memory_space<vmem>>
      %dma_wait3A_257 = tpu.memref_squeeze %dma_wait3A_256 : memref<1x1x128xi32, #tpu.memory_space<vmem>> -> memref<1x128xi32, #tpu.memory_space<vmem>>
      %dma_wait3A_258 = arith.constant 0 : i32
      %dma_wait3A_259 = arith.constant 0 : i32
      %dma_wait3A_260 = tpu.memref_slice %arg2[%dma_wait3A_251, %dma_wait3A_258, %dma_wait3A_259] : memref<25600x1x128xi32, #tpu.memory_space<hbm>> -> memref<1x1x128xi32, #tpu.memory_space<hbm>>
      %dma_wait3A_261 = tpu.memref_squeeze %dma_wait3A_260 : memref<1x1x128xi32, #tpu.memory_space<hbm>> -> memref<1x128xi32, #tpu.memory_space<hbm>>
      %dma_wait3A_262 = tpu.memref_slice %arg8[%dma_wait3A_253] : memref<4x!tpu.dma_semaphore, #tpu.memory_space<semaphore_mem>> -> memref<1x!tpu.dma_semaphore, #tpu.memory_space<semaphore_mem>>
      %dma_wait3A_263 = tpu.memref_squeeze %dma_wait3A_262 : memref<1x!tpu.dma_semaphore, #tpu.memory_space<semaphore_mem>> -> memref<!tpu.dma_semaphore, #tpu.memory_space<semaphore_mem>>
      %dma_wait3A_264 = arith.constant 0 : i32
      %dma_wait3A_265 = arith.constant 0 : i32
      %dma_wait3A_266 = tpu.memref_slice %arg5[%dma_wait3A_252, %dma_wait3A_264, %dma_wait3A_265] : memref<4x1x128xi32, #tpu.memory_space<vmem>> -> memref<1x1x128xi32, #tpu.memory_space<vmem>>
      %dma_wait3A_267 = tpu.memref_squeeze %dma_wait3A_266 : memref<1x1x128xi32, #tpu.memory_space<vmem>> -> memref<1x128xi32, #tpu.memory_space<vmem>>
      %dma_wait3A_268 = arith.constant 0 : i32
      %dma_wait3A_269 = arith.constant 0 : i32
      %dma_wait3A_270 = tpu.memref_slice %arg2[%dma_wait3A_251, %dma_wait3A_268, %dma_wait3A_269] : memref<25600x1x128xi32, #tpu.memory_space<hbm>> -> memref<1x1x128xi32, #tpu.memory_space<hbm>>
      %dma_wait3A_271 = tpu.memref_squeeze %dma_wait3A_270 : memref<1x1x128xi32, #tpu.memory_space<hbm>> -> memref<1x128xi32, #tpu.memory_space<hbm>>
      tpu.wait_dma2 semaphore(%dma_wait3A_263 : memref<!tpu.dma_semaphore, #tpu.memory_space<semaphore_mem>>) src(%dma_wait3A_271 : memref<1x128xi32, #tpu.memory_space<hbm>>) dst(%dma_wait3A_267 : memref<1x128xi32, #tpu.memory_space<vmem>>)
      %gt3A = arith.constant 0 : i32
      %gt3A_272 = arith.cmpi sgt, %scan3A_246, %gt3A : i32
      %convert_element_type3A_273 = arith.extui %gt3A_272 : i1 to i32
      %cond3A_274 = arith.constant 0 : i32
      %cond3A_275 = arith.cmpi ne, %convert_element_type3A_273, %cond3A_274 : i32
      scf.if %cond3A_275 {
        %dma_wait3A_1276 = arith.constant 0 : i32
        %dma_wait3A_1277 = arith.constant 0 : i32
        %dma_wait3A_1278 = arith.constant 0 : i32
        %dma_wait3A_1279 = arith.constant 0 : i32
        %dma_wait3A_1280 = tpu.memref_slice %arg6[%dma_wait3A_1276, %dma_wait3A_1278, %dma_wait3A_1279] : memref<4x128x128xf32, #tpu.memory_space<vmem>> -> memref<1x128x128xf32, #tpu.memory_space<vmem>>
        %dma_wait3A_1281 = tpu.memref_squeeze %dma_wait3A_1280 : memref<1x128x128xf32, #tpu.memory_space<vmem>> -> memref<128x128xf32, #tpu.memory_space<vmem>>
        %dma_wait3A_1282 = arith.constant 0 : i32
        %dma_wait3A_1283 = arith.constant 0 : i32
        %dma_wait3A_1284 = tpu.memref_slice %arg4[%dma_wait3A_1282, %dma_wait3A_1283] : memref<3276800x128xf32, #tpu.memory_space<hbm>> -> memref<128x128xf32, #tpu.memory_space<hbm>>
        %dma_wait3A_1285 = tpu.memref_slice %arg10[%dma_wait3A_1277] : memref<4x!tpu.dma_semaphore, #tpu.memory_space<semaphore_mem>> -> memref<1x!tpu.dma_semaphore, #tpu.memory_space<semaphore_mem>>
        %dma_wait3A_1286 = tpu.memref_squeeze %dma_wait3A_1285 : memref<1x!tpu.dma_semaphore, #tpu.memory_space<semaphore_mem>> -> memref<!tpu.dma_semaphore, #tpu.memory_space<semaphore_mem>>
        %dma_wait3A_1287 = arith.constant 0 : i32
        %dma_wait3A_1288 = arith.constant 0 : i32
        %dma_wait3A_1289 = tpu.memref_slice %arg4[%dma_wait3A_1287, %dma_wait3A_1288] : memref<3276800x128xf32, #tpu.memory_space<hbm>> -> memref<128x128xf32, #tpu.memory_space<hbm>>
        %dma_wait3A_1290 = arith.constant 0 : i32
        %dma_wait3A_1291 = arith.constant 0 : i32
        %dma_wait3A_1292 = tpu.memref_slice %arg6[%dma_wait3A_1276, %dma_wait3A_1290, %dma_wait3A_1291] : memref<4x128x128xf32, #tpu.memory_space<vmem>> -> memref<1x128x128xf32, #tpu.memory_space<vmem>>
        %dma_wait3A_1293 = tpu.memref_squeeze %dma_wait3A_1292 : memref<1x128x128xf32, #tpu.memory_space<vmem>> -> memref<128x128xf32, #tpu.memory_space<vmem>>
        tpu.wait_dma2 semaphore(%dma_wait3A_1286 : memref<!tpu.dma_semaphore, #tpu.memory_space<semaphore_mem>>) src(%dma_wait3A_1293 : memref<128x128xf32, #tpu.memory_space<vmem>>) dst(%dma_wait3A_1289 : memref<128x128xf32, #tpu.memory_space<hbm>>)
      } else {
      }
      %get3A = arith.constant 0 : i32
      %get3A_276 = arith.constant 0 : i32
      %get3A_277 = arith.constant 0 : i32
      %get3A_278 = arith.constant 0 : i32
      %get3A_279 = tpu.memref_slice %arg5[%get3A, %get3A_277, %get3A_278] : memref<4x1x128xi32, #tpu.memory_space<vmem>> -> memref<1x1x128xi32, #tpu.memory_space<vmem>>
      %get3A_280 = tpu.memref_squeeze %get3A_279 : memref<1x1x128xi32, #tpu.memory_space<vmem>> -> memref<1x128xi32, #tpu.memory_space<vmem>>
      %get3A_281 = arith.index_cast %get3A_276 : i32 to index
      %get3A_282 = arith.constant 0 : index
      %get3A_283 = tpu.vector_load %get3A_280[%get3A_281, %get3A_282] {strides = array<i32>} : memref<1x128xi32, #tpu.memory_space<vmem>>, vector<1x16xi32>,
      %get3A_284 = vector.shape_cast %get3A_283 : vector<1x16xi32> to vector<16xi32>
      %add3A_285 = vector.broadcast %mul3A_4 : i32 to vector<16xi32>
      %add3A_286 = arith.addi %get3A_284, %add3A_285 : vector<16xi32>
      %swap3A = arith.constant 0 : i32
      %swap3A_287 = arith.constant 0 : i32
      %swap3A_288 = arith.constant 0 : i32
      %swap3A_289 = arith.constant 0 : i32
      %swap3A_290 = tpu.memref_slice %arg5[%swap3A, %swap3A_288, %swap3A_289] : memref<4x1x128xi32, #tpu.memory_space<vmem>> -> memref<1x1x128xi32, #tpu.memory_space<vmem>>
      %swap3A_291 = tpu.memref_squeeze %swap3A_290 : memref<1x1x128xi32, #tpu.memory_space<vmem>> -> memref<1x128xi32, #tpu.memory_space<vmem>>
      %swap3A_292 = arith.index_cast %swap3A_287 : i32 to index
      %swap3A_293 = arith.constant 0 : index
      %swap3A_294 = tpu.vector_load %swap3A_291[%swap3A_292, %swap3A_293] {strides = array<i32>} : memref<1x128xi32, #tpu.memory_space<vmem>>, vector<1x16xi32>,
      %swap3A_295 = vector.shape_cast %swap3A_294 : vector<1x16xi32> to vector<16xi32>
      %swap3A_296 = vector.shape_cast %add3A_286 : vector<16xi32> to vector<1x16xi32>
      tpu.vector_store %swap3A_291[%swap3A_292, %swap3A_293], %swap3A_296 {strides = array<i32>} : memref<1x128xi32, #tpu.memory_space<vmem>>, vector<1x16xi32>,
      %get3A_297 = arith.constant 0 : i32
      %get3A_298 = arith.constant 0 : i32
      %get3A_299 = arith.constant 0 : i32
      %get3A_300 = arith.constant 0 : i32
      %get3A_301 = tpu.memref_slice %arg5[%get3A_297, %get3A_299, %get3A_300] : memref<4x1x128xi32, #tpu.memory_space<vmem>> -> memref<1x1x128xi32, #tpu.memory_space<vmem>>
      %get3A_302 = tpu.memref_squeeze %get3A_301 : memref<1x1x128xi32, #tpu.memory_space<vmem>> -> memref<1x128xi32, #tpu.memory_space<vmem>>
      %get3A_303 = arith.index_cast %get3A_298 : i32 to index
      %get3A_304 = arith.constant 16 : index
      %get3A_305 = tpu.vector_load %get3A_302[%get3A_303, %get3A_304] {strides = array<i32>} : memref<1x128xi32, #tpu.memory_space<vmem>>, vector<1x16xi32>,
      %get3A_306 = vector.shape_cast %get3A_305 : vector<1x16xi32> to vector<16xi32>
      %add3A_307 = vector.broadcast %mul3A_4 : i32 to vector<16xi32>
      %add3A_308 = arith.addi %get3A_306, %add3A_307 : vector<16xi32>
      %swap3A_309 = arith.constant 0 : i32
      %swap3A_310 = arith.constant 0 : i32
      %swap3A_311 = arith.constant 0 : i32
      %swap3A_312 = arith.constant 0 : i32
      %swap3A_313 = tpu.memref_slice %arg5[%swap3A_309, %swap3A_311, %swap3A_312] : memref<4x1x128xi32, #tpu.memory_space<vmem>> -> memref<1x1x128xi32, #tpu.memory_space<vmem>>
      %swap3A_314 = tpu.memref_squeeze %swap3A_313 : memref<1x1x128xi32, #tpu.memory_space<vmem>> -> memref<1x128xi32, #tpu.memory_space<vmem>>
      %swap3A_315 = arith.index_cast %swap3A_310 : i32 to index
      %swap3A_316 = arith.constant 16 : index
      %swap3A_317 = tpu.vector_load %swap3A_314[%swap3A_315, %swap3A_316] {strides = array<i32>} : memref<1x128xi32, #tpu.memory_space<vmem>>, vector<1x16xi32>,
      %swap3A_318 = vector.shape_cast %swap3A_317 : vector<1x16xi32> to vector<16xi32>
      %swap3A_319 = vector.shape_cast %add3A_308 : vector<16xi32> to vector<1x16xi32>
      tpu.vector_store %swap3A_314[%swap3A_315, %swap3A_316], %swap3A_319 {strides = array<i32>} : memref<1x128xi32, #tpu.memory_space<vmem>>, vector<1x16xi32>,
      %get3A_320 = arith.constant 0 : i32
      %get3A_321 = arith.constant 0 : i32
      %get3A_322 = arith.constant 0 : i32
      %get3A_323 = arith.constant 0 : i32
      %get3A_324 = tpu.memref_slice %arg5[%get3A_320, %get3A_322, %get3A_323] : memref<4x1x128xi32, #tpu.memory_space<vmem>> -> memref<1x1x128xi32, #tpu.memory_space<vmem>>
      %get3A_325 = tpu.memref_squeeze %get3A_324 : memref<1x1x128xi32, #tpu.memory_space<vmem>> -> memref<1x128xi32, #tpu.memory_space<vmem>>
      %get3A_326 = arith.index_cast %get3A_321 : i32 to index
      %get3A_327 = arith.constant 32 : index
      %get3A_328 = tpu.vector_load %get3A_325[%get3A_326, %get3A_327] {strides = array<i32>} : memref<1x128xi32, #tpu.memory_space<vmem>>, vector<1x16xi32>,
      %get3A_329 = vector.shape_cast %get3A_328 : vector<1x16xi32> to vector<16xi32>
      %add3A_330 = vector.broadcast %mul3A_4 : i32 to vector<16xi32>
      %add3A_331 = arith.addi %get3A_329, %add3A_330 : vector<16xi32>
      %swap3A_332 = arith.constant 0 : i32
      %swap3A_333 = arith.constant 0 : i32
      %swap3A_334 = arith.constant 0 : i32
      %swap3A_335 = arith.constant 0 : i32
      %swap3A_336 = tpu.memref_slice %arg5[%swap3A_332, %swap3A_334, %swap3A_335] : memref<4x1x128xi32, #tpu.memory_space<vmem>> -> memref<1x1x128xi32, #tpu.memory_space<vmem>>
      %swap3A_337 = tpu.memref_squeeze %swap3A_336 : memref<1x1x128xi32, #tpu.memory_space<vmem>> -> memref<1x128xi32, #tpu.memory_space<vmem>>
      %swap3A_338 = arith.index_cast %swap3A_333 : i32 to index
      %swap3A_339 = arith.constant 32 : index
      %swap3A_340 = tpu.vector_load %swap3A_337[%swap3A_338, %swap3A_339] {strides = array<i32>} : memref<1x128xi32, #tpu.memory_space<vmem>>, vector<1x16xi32>,
      %swap3A_341 = vector.shape_cast %swap3A_340 : vector<1x16xi32> to vector<16xi32>
      %swap3A_342 = vector.shape_cast %add3A_331 : vector<16xi32> to vector<1x16xi32>
      tpu.vector_store %swap3A_337[%swap3A_338, %swap3A_339], %swap3A_342 {strides = array<i32>} : memref<1x128xi32, #tpu.memory_space<vmem>>, vector<1x16xi32>,
      %get3A_343 = arith.constant 0 : i32
      %get3A_344 = arith.constant 0 : i32
      %get3A_345 = arith.constant 0 : i32
      %get3A_346 = arith.constant 0 : i32
      %get3A_347 = tpu.memref_slice %arg5[%get3A_343, %get3A_345, %get3A_346] : memref<4x1x128xi32, #tpu.memory_space<vmem>> -> memref<1x1x128xi32, #tpu.memory_space<vmem>>
      %get3A_348 = tpu.memref_squeeze %get3A_347 : memref<1x1x128xi32, #tpu.memory_space<vmem>> -> memref<1x128xi32, #tpu.memory_space<vmem>>
      %get3A_349 = arith.index_cast %get3A_344 : i32 to index
      %get3A_350 = arith.constant 48 : index
      %get3A_351 = tpu.vector_load %get3A_348[%get3A_349, %get3A_350] {strides = array<i32>} : memref<1x128xi32, #tpu.memory_space<vmem>>, vector<1x16xi32>,
      %get3A_352 = vector.shape_cast %get3A_351 : vector<1x16xi32> to vector<16xi32>
      %add3A_353 = vector.broadcast %mul3A_4 : i32 to vector<16xi32>
      %add3A_354 = arith.addi %get3A_352, %add3A_353 : vector<16xi32>
      %swap3A_355 = arith.constant 0 : i32
      %swap3A_356 = arith.constant 0 : i32
      %swap3A_357 = arith.constant 0 : i32
      %swap3A_358 = arith.constant 0 : i32
      %swap3A_359 = tpu.memref_slice %arg5[%swap3A_355, %swap3A_357, %swap3A_358] : memref<4x1x128xi32, #tpu.memory_space<vmem>> -> memref<1x1x128xi32, #tpu.memory_space<vmem>>
      %swap3A_360 = tpu.memref_squeeze %swap3A_359 : memref<1x1x128xi32, #tpu.memory_space<vmem>> -> memref<1x128xi32, #tpu.memory_space<vmem>>
      %swap3A_361 = arith.index_cast %swap3A_356 : i32 to index
      %swap3A_362 = arith.constant 48 : index
      %swap3A_363 = tpu.vector_load %swap3A_360[%swap3A_361, %swap3A_362] {strides = array<i32>} : memref<1x128xi32, #tpu.memory_space<vmem>>, vector<1x16xi32>,
      %swap3A_364 = vector.shape_cast %swap3A_363 : vector<1x16xi32> to vector<16xi32>
      %swap3A_365 = vector.shape_cast %add3A_354 : vector<16xi32> to vector<1x16xi32>
      tpu.vector_store %swap3A_360[%swap3A_361, %swap3A_362], %swap3A_365 {strides = array<i32>} : memref<1x128xi32, #tpu.memory_space<vmem>>, vector<1x16xi32>,
      %get3A_366 = arith.constant 0 : i32
      %get3A_367 = arith.constant 0 : i32
      %get3A_368 = arith.constant 0 : i32
      %get3A_369 = arith.constant 0 : i32
      %get3A_370 = tpu.memref_slice %arg5[%get3A_366, %get3A_368, %get3A_369] : memref<4x1x128xi32, #tpu.memory_space<vmem>> -> memref<1x1x128xi32, #tpu.memory_space<vmem>>
      %get3A_371 = tpu.memref_squeeze %get3A_370 : memref<1x1x128xi32, #tpu.memory_space<vmem>> -> memref<1x128xi32, #tpu.memory_space<vmem>>
      %get3A_372 = arith.index_cast %get3A_367 : i32 to index
      %get3A_373 = arith.constant 64 : index
      %get3A_374 = tpu.vector_load %get3A_371[%get3A_372, %get3A_373] {strides = array<i32>} : memref<1x128xi32, #tpu.memory_space<vmem>>, vector<1x16xi32>,
      %get3A_375 = vector.shape_cast %get3A_374 : vector<1x16xi32> to vector<16xi32>
      %add3A_376 = vector.broadcast %mul3A_4 : i32 to vector<16xi32>
      %add3A_377 = arith.addi %get3A_375, %add3A_376 : vector<16xi32>
      %swap3A_378 = arith.constant 0 : i32
      %swap3A_379 = arith.constant 0 : i32
      %swap3A_380 = arith.constant 0 : i32
      %swap3A_381 = arith.constant 0 : i32
      %swap3A_382 = tpu.memref_slice %arg5[%swap3A_378, %swap3A_380, %swap3A_381] : memref<4x1x128xi32, #tpu.memory_space<vmem>> -> memref<1x1x128xi32, #tpu.memory_space<vmem>>
      %swap3A_383 = tpu.memref_squeeze %swap3A_382 : memref<1x1x128xi32, #tpu.memory_space<vmem>> -> memref<1x128xi32, #tpu.memory_space<vmem>>
      %swap3A_384 = arith.index_cast %swap3A_379 : i32 to index
      %swap3A_385 = arith.constant 64 : index
      %swap3A_386 = tpu.vector_load %swap3A_383[%swap3A_384, %swap3A_385] {strides = array<i32>} : memref<1x128xi32, #tpu.memory_space<vmem>>, vector<1x16xi32>,
      %swap3A_387 = vector.shape_cast %swap3A_386 : vector<1x16xi32> to vector<16xi32>
      %swap3A_388 = vector.shape_cast %add3A_377 : vector<16xi32> to vector<1x16xi32>
      tpu.vector_store %swap3A_383[%swap3A_384, %swap3A_385], %swap3A_388 {strides = array<i32>} : memref<1x128xi32, #tpu.memory_space<vmem>>, vector<1x16xi32>,
      %get3A_389 = arith.constant 0 : i32
      %get3A_390 = arith.constant 0 : i32
      %get3A_391 = arith.constant 0 : i32
      %get3A_392 = arith.constant 0 : i32
      %get3A_393 = tpu.memref_slice %arg5[%get3A_389, %get3A_391, %get3A_392] : memref<4x1x128xi32, #tpu.memory_space<vmem>> -> memref<1x1x128xi32, #tpu.memory_space<vmem>>
      %get3A_394 = tpu.memref_squeeze %get3A_393 : memref<1x1x128xi32, #tpu.memory_space<vmem>> -> memref<1x128xi32, #tpu.memory_space<vmem>>
      %get3A_395 = arith.index_cast %get3A_390 : i32 to index
      %get3A_396 = arith.constant 80 : index
      %get3A_397 = tpu.vector_load %get3A_394[%get3A_395, %get3A_396] {strides = array<i32>} : memref<1x128xi32, #tpu.memory_space<vmem>>, vector<1x16xi32>,
      %get3A_398 = vector.shape_cast %get3A_397 : vector<1x16xi32> to vector<16xi32>
      %add3A_399 = vector.broadcast %mul3A_4 : i32 to vector<16xi32>
      %add3A_400 = arith.addi %get3A_398, %add3A_399 : vector<16xi32>
      %swap3A_401 = arith.constant 0 : i32
      %swap3A_402 = arith.constant 0 : i32
      %swap3A_403 = arith.constant 0 : i32
      %swap3A_404 = arith.constant 0 : i32
      %swap3A_405 = tpu.memref_slice %arg5[%swap3A_401, %swap3A_403, %swap3A_404] : memref<4x1x128xi32, #tpu.memory_space<vmem>> -> memref<1x1x128xi32, #tpu.memory_space<vmem>>
      %swap3A_406 = tpu.memref_squeeze %swap3A_405 : memref<1x1x128xi32, #tpu.memory_space<vmem>> -> memref<1x128xi32, #tpu.memory_space<vmem>>
      %swap3A_407 = arith.index_cast %swap3A_402 : i32 to index
      %swap3A_408 = arith.constant 80 : index
      %swap3A_409 = tpu.vector_load %swap3A_406[%swap3A_407, %swap3A_408] {strides = array<i32>} : memref<1x128xi32, #tpu.memory_space<vmem>>, vector<1x16xi32>,
      %swap3A_410 = vector.shape_cast %swap3A_409 : vector<1x16xi32> to vector<16xi32>
      %swap3A_411 = vector.shape_cast %add3A_400 : vector<16xi32> to vector<1x16xi32>
      tpu.vector_store %swap3A_406[%swap3A_407, %swap3A_408], %swap3A_411 {strides = array<i32>} : memref<1x128xi32, #tpu.memory_space<vmem>>, vector<1x16xi32>,
      %get3A_412 = arith.constant 0 : i32
      %get3A_413 = arith.constant 0 : i32
      %get3A_414 = arith.constant 0 : i32
      %get3A_415 = arith.constant 0 : i32
      %get3A_416 = tpu.memref_slice %arg5[%get3A_412, %get3A_414, %get3A_415] : memref<4x1x128xi32, #tpu.memory_space<vmem>> -> memref<1x1x128xi32, #tpu.memory_space<vmem>>
      %get3A_417 = tpu.memref_squeeze %get3A_416 : memref<1x1x128xi32, #tpu.memory_space<vmem>> -> memref<1x128xi32, #tpu.memory_space<vmem>>
      %get3A_418 = arith.index_cast %get3A_413 : i32 to index
      %get3A_419 = arith.constant 96 : index
      %get3A_420 = tpu.vector_load %get3A_417[%get3A_418, %get3A_419] {strides = array<i32>} : memref<1x128xi32, #tpu.memory_space<vmem>>, vector<1x16xi32>,
      %get3A_421 = vector.shape_cast %get3A_420 : vector<1x16xi32> to vector<16xi32>
      %add3A_422 = vector.broadcast %mul3A_4 : i32 to vector<16xi32>
      %add3A_423 = arith.addi %get3A_421, %add3A_422 : vector<16xi32>
      %swap3A_424 = arith.constant 0 : i32
      %swap3A_425 = arith.constant 0 : i32
      %swap3A_426 = arith.constant 0 : i32
      %swap3A_427 = arith.constant 0 : i32
      %swap3A_428 = tpu.memref_slice %arg5[%swap3A_424, %swap3A_426, %swap3A_427] : memref<4x1x128xi32, #tpu.memory_space<vmem>> -> memref<1x1x128xi32, #tpu.memory_space<vmem>>
      %swap3A_429 = tpu.memref_squeeze %swap3A_428 : memref<1x1x128xi32, #tpu.memory_space<vmem>> -> memref<1x128xi32, #tpu.memory_space<vmem>>
      %swap3A_430 = arith.index_cast %swap3A_425 : i32 to index
      %swap3A_431 = arith.constant 96 : index
      %swap3A_432 = tpu.vector_load %swap3A_429[%swap3A_430, %swap3A_431] {strides = array<i32>} : memref<1x128xi32, #tpu.memory_space<vmem>>, vector<1x16xi32>,
      %swap3A_433 = vector.shape_cast %swap3A_432 : vector<1x16xi32> to vector<16xi32>
      %swap3A_434 = vector.shape_cast %add3A_423 : vector<16xi32> to vector<1x16xi32>
      tpu.vector_store %swap3A_429[%swap3A_430, %swap3A_431], %swap3A_434 {strides = array<i32>} : memref<1x128xi32, #tpu.memory_space<vmem>>, vector<1x16xi32>,
      %get3A_435 = arith.constant 0 : i32
      %get3A_436 = arith.constant 0 : i32
      %get3A_437 = arith.constant 0 : i32
      %get3A_438 = arith.constant 0 : i32
      %get3A_439 = tpu.memref_slice %arg5[%get3A_435, %get3A_437, %get3A_438] : memref<4x1x128xi32, #tpu.memory_space<vmem>> -> memref<1x1x128xi32, #tpu.memory_space<vmem>>
      %get3A_440 = tpu.memref_squeeze %get3A_439 : memref<1x1x128xi32, #tpu.memory_space<vmem>> -> memref<1x128xi32, #tpu.memory_space<vmem>>
      %get3A_441 = arith.index_cast %get3A_436 : i32 to index
      %get3A_442 = arith.constant 112 : index
      %get3A_443 = tpu.vector_load %get3A_440[%get3A_441, %get3A_442] {strides = array<i32>} : memref<1x128xi32, #tpu.memory_space<vmem>>, vector<1x16xi32>,
      %get3A_444 = vector.shape_cast %get3A_443 : vector<1x16xi32> to vector<16xi32>
      %add3A_445 = vector.broadcast %mul3A_4 : i32 to vector<16xi32>
      %add3A_446 = arith.addi %get3A_444, %add3A_445 : vector<16xi32>
      %swap3A_447 = arith.constant 0 : i32
      %swap3A_448 = arith.constant 0 : i32
      %swap3A_449 = arith.constant 0 : i32
      %swap3A_450 = arith.constant 0 : i32
      %swap3A_451 = tpu.memref_slice %arg5[%swap3A_447, %swap3A_449, %swap3A_450] : memref<4x1x128xi32, #tpu.memory_space<vmem>> -> memref<1x1x128xi32, #tpu.memory_space<vmem>>
      %swap3A_452 = tpu.memref_squeeze %swap3A_451 : memref<1x1x128xi32, #tpu.memory_space<vmem>> -> memref<1x128xi32, #tpu.memory_space<vmem>>
      %swap3A_453 = arith.index_cast %swap3A_448 : i32 to index
      %swap3A_454 = arith.constant 112 : index
      %swap3A_455 = tpu.vector_load %swap3A_452[%swap3A_453, %swap3A_454] {strides = array<i32>} : memref<1x128xi32, #tpu.memory_space<vmem>>, vector<1x16xi32>,
      %swap3A_456 = vector.shape_cast %swap3A_455 : vector<1x16xi32> to vector<16xi32>
      %swap3A_457 = vector.shape_cast %add3A_446 : vector<16xi32> to vector<1x16xi32>
      tpu.vector_store %swap3A_452[%swap3A_453, %swap3A_454], %swap3A_457 {strides = array<i32>} : memref<1x128xi32, #tpu.memory_space<vmem>>, vector<1x16xi32>,
      %dma_start3A_458 = arith.constant 0 : i32
      %dma_start3A_459 = arith.constant 0 : i32
      %dma_start3A_460 = arith.constant 0 : i32
      %dma_start3A_461 = arith.constant 0 : i32
      %dma_start3A_462 = arith.constant 0 : i32
      %dma_start3A_463 = arith.constant 0 : i32
      %dma_start3A_464 = tpu.memref_slice %arg6[%dma_start3A_460, %dma_start3A_462, %dma_start3A_463] : memref<4x128x128xf32, #tpu.memory_space<vmem>> -> memref<1x128x128xf32, #tpu.memory_space<vmem>>
      %dma_start3A_465 = tpu.memref_squeeze %dma_start3A_464 : memref<1x128x128xf32, #tpu.memory_space<vmem>> -> memref<128x128xf32, #tpu.memory_space<vmem>>
      %dma_start3A_466 = arith.constant 0 : i32
      %dma_start3A_467 = arith.constant 0 : i32
      %dma_start3A_468 = tpu.memref_slice %arg5[%dma_start3A_458, %dma_start3A_466, %dma_start3A_467] : memref<4x1x128xi32, #tpu.memory_space<vmem>> -> memref<1x1x128xi32, #tpu.memory_space<vmem>>
      %dma_start3A_469 = tpu.memref_squeeze %dma_start3A_468 : memref<1x1x128xi32, #tpu.memory_space<vmem>> -> memref<1x128xi32, #tpu.memory_space<vmem>>
      %dma_start3A_470 = arith.constant 0 : i32
      %dma_start3A_471 = tpu.memref_slice %dma_start3A_469[%dma_start3A_459, %dma_start3A_470] : memref<1x128xi32, #tpu.memory_space<vmem>> -> memref<1x128xi32, #tpu.memory_space<vmem>>
      %dma_start3A_472 = tpu.memref_squeeze %dma_start3A_471 : memref<1x128xi32, #tpu.memory_space<vmem>> -> memref<128xi32, #tpu.memory_space<vmem>>
      %dma_start3A_473 = arith.constant 0 : i32
      %dma_start3A_474 = arith.constant 0 : i32
      %dma_start3A_475 = tpu.memref_slice %arg7[%dma_start3A_473, %dma_start3A_474] : memref<4096x128xf32, #tpu.memory_space<vmem_shared>> -> memref<4096x128xf32, #tpu.memory_space<vmem_shared>>
      %dma_start3A_476 = tpu.memref_slice %arg9[%dma_start3A_461] : memref<4x!tpu.dma_semaphore, #tpu.memory_space<semaphore_mem>> -> memref<1x!tpu.dma_semaphore, #tpu.memory_space<semaphore_mem>>
      %dma_start3A_477 = tpu.memref_squeeze %dma_start3A_476 : memref<1x!tpu.dma_semaphore, #tpu.memory_space<semaphore_mem>> -> memref<!tpu.dma_semaphore, #tpu.memory_space<semaphore_mem>>
      tpu.enqueue_indirect_dma source(%dma_start3A_475 : memref<4096x128xf32, #tpu.memory_space<vmem_shared>>) target(%dma_start3A_465 : memref<128x128xf32, #tpu.memory_space<vmem>>) offsets(%dma_start3A_472 : memref<128xi32, #tpu.memory_space<vmem>>) semaphore(%dma_start3A_477 : memref<!tpu.dma_semaphore, #tpu.memory_space<semaphore_mem>>)
      %gt3A_478 = arith.constant 0 : i32
      %gt3A_479 = arith.cmpi sgt, %scan3A_246, %gt3A_478 : i32
      %convert_element_type3A_480 = arith.extui %gt3A_479 : i1 to i32
      %cond3A_481 = arith.constant 0 : i32
      %cond3A_482 = arith.cmpi ne, %convert_element_type3A_480, %cond3A_481 : i32
      scf.if %cond3A_482 {
        %sub3A_1276 = arith.constant 2 : i32
        %sub3A_1277 = arith.subi %add3A_250, %sub3A_1276 : i32
        %dma_wait3A_1278 = arith.constant 2 : i32
        %dma_wait3A_1279 = arith.constant 2 : i32
        %dma_wait3A_1280 = arith.constant 0 : i32
        %dma_wait3A_1281 = arith.constant 0 : i32
        %dma_wait3A_1282 = tpu.memref_slice %arg6[%dma_wait3A_1278, %dma_wait3A_1280, %dma_wait3A_1281] : memref<4x128x128xf32, #tpu.memory_space<vmem>> -> memref<1x128x128xf32, #tpu.memory_space<vmem>>
        %dma_wait3A_1283 = tpu.memref_squeeze %dma_wait3A_1282 : memref<1x128x128xf32, #tpu.memory_space<vmem>> -> memref<128x128xf32, #tpu.memory_space<vmem>>
        %dma_wait3A_1284 = arith.constant 0 : i32
        %dma_wait3A_1285 = arith.constant 0 : i32
        %dma_wait3A_1286 = tpu.memref_slice %arg4[%dma_wait3A_1284, %dma_wait3A_1285] : memref<3276800x128xf32, #tpu.memory_space<hbm>> -> memref<128x128xf32, #tpu.memory_space<hbm>>
        %dma_wait3A_1287 = tpu.memref_slice %arg9[%dma_wait3A_1279] : memref<4x!tpu.dma_semaphore, #tpu.memory_space<semaphore_mem>> -> memref<1x!tpu.dma_semaphore, #tpu.memory_space<semaphore_mem>>
        %dma_wait3A_1288 = tpu.memref_squeeze %dma_wait3A_1287 : memref<1x!tpu.dma_semaphore, #tpu.memory_space<semaphore_mem>> -> memref<!tpu.dma_semaphore, #tpu.memory_space<semaphore_mem>>
        %dma_wait3A_1289 = arith.constant 0 : i32
        %dma_wait3A_1290 = arith.constant 0 : i32
        %dma_wait3A_1291 = tpu.memref_slice %arg6[%dma_wait3A_1278, %dma_wait3A_1289, %dma_wait3A_1290] : memref<4x128x128xf32, #tpu.memory_space<vmem>> -> memref<1x128x128xf32, #tpu.memory_space<vmem>>
        %dma_wait3A_1292 = tpu.memref_squeeze %dma_wait3A_1291 : memref<1x128x128xf32, #tpu.memory_space<vmem>> -> memref<128x128xf32, #tpu.memory_space<vmem>>
        %dma_wait3A_1293 = arith.constant 0 : i32
        %dma_wait3A_1294 = arith.constant 0 : i32
        %dma_wait3A_1295 = tpu.memref_slice %arg4[%dma_wait3A_1293, %dma_wait3A_1294] : memref<3276800x128xf32, #tpu.memory_space<hbm>> -> memref<128x128xf32, #tpu.memory_space<hbm>>
        tpu.wait_dma2 semaphore(%dma_wait3A_1288 : memref<!tpu.dma_semaphore, #tpu.memory_space<semaphore_mem>>) src(%dma_wait3A_1295 : memref<128x128xf32, #tpu.memory_space<hbm>>) dst(%dma_wait3A_1292 : memref<128x128xf32, #tpu.memory_space<vmem>>)
        %add3A_1296 = arith.addi %mul3A_2, %sub3A_1277 : i32
        %mul3A_1297 = arith.constant 128 : i32
        %mul3A_1298 = arith.muli %add3A_1296, %mul3A_1297 : i32
        %dma_start3A_1299 = arith.constant 2 : i32
        %dma_start3A_1300 = arith.constant 2 : i32
        %dma_start3A_1301 = arith.constant 0 : i32
        %dma_start3A_1302 = arith.constant 0 : i32
        %dma_start3A_1303 = tpu.memref_slice %arg6[%dma_start3A_1299, %dma_start3A_1301, %dma_start3A_1302] : memref<4x128x128xf32, #tpu.memory_space<vmem>> -> memref<1x128x128xf32, #tpu.memory_space<vmem>>
        %dma_start3A_1304 = tpu.memref_squeeze %dma_start3A_1303 : memref<1x128x128xf32, #tpu.memory_space<vmem>> -> memref<128x128xf32, #tpu.memory_space<vmem>>
        %dma_start3A_1305 = arith.constant 0 : i32
        %dma_start3A_1306 = tpu.memref_slice %arg4[%mul3A_1298, %dma_start3A_1305] : memref<3276800x128xf32, #tpu.memory_space<hbm>> -> memref<128x128xf32, #tpu.memory_space<hbm>>
        %dma_start3A_1307 = tpu.memref_slice %arg10[%dma_start3A_1300] : memref<4x!tpu.dma_semaphore, #tpu.memory_space<semaphore_mem>> -> memref<1x!tpu.dma_semaphore, #tpu.memory_space<semaphore_mem>>
        %dma_start3A_1308 = tpu.memref_squeeze %dma_start3A_1307 : memref<1x!tpu.dma_semaphore, #tpu.memory_space<semaphore_mem>> -> memref<!tpu.dma_semaphore, #tpu.memory_space<semaphore_mem>>
        %dma_start3A_1309 = arith.constant 0 : i32
        %dma_start3A_1310 = tpu.memref_slice %arg4[%mul3A_1298, %dma_start3A_1309] : memref<3276800x128xf32, #tpu.memory_space<hbm>> -> memref<128x128xf32, #tpu.memory_space<hbm>>
        %dma_start3A_1311 = arith.constant 0 : i32
        %dma_start3A_1312 = arith.constant 0 : i32
        %dma_start3A_1313 = tpu.memref_slice %arg6[%dma_start3A_1299, %dma_start3A_1311, %dma_start3A_1312] : memref<4x128x128xf32, #tpu.memory_space<vmem>> -> memref<1x128x128xf32, #tpu.memory_space<vmem>>
        %dma_start3A_1314 = tpu.memref_squeeze %dma_start3A_1313 : memref<1x128x128xf32, #tpu.memory_space<vmem>> -> memref<128x128xf32, #tpu.memory_space<vmem>>
        tpu.enqueue_dma source(%dma_start3A_1314 : memref<128x128xf32, #tpu.memory_space<vmem>>) target(%dma_start3A_1310 : memref<128x128xf32, #tpu.memory_space<hbm>>) target_semaphore(%dma_start3A_1308 : memref<!tpu.dma_semaphore, #tpu.memory_space<semaphore_mem>>)
        %add3A_1315 = arith.constant 2 : i32
        %add3A_1316 = arith.addi %add3A_250, %add3A_1315 : i32
        %add3A_1317 = arith.addi %mul3A_2, %add3A_1316 : i32
        %dma_start3A_1318 = arith.constant 2 : i32
        %dma_start3A_1319 = arith.constant 2 : i32
        %dma_start3A_1320 = arith.constant 0 : i32
        %dma_start3A_1321 = arith.constant 0 : i32
        %dma_start3A_1322 = tpu.memref_slice %arg5[%dma_start3A_1318, %dma_start3A_1320, %dma_start3A_1321] : memref<4x1x128xi32, #tpu.memory_space<vmem>> -> memref<1x1x128xi32, #tpu.memory_space<vmem>>
        %dma_start3A_1323 = tpu.memref_squeeze %dma_start3A_1322 : memref<1x1x128xi32, #tpu.memory_space<vmem>> -> memref<1x128xi32, #tpu.memory_space<vmem>>
        %dma_start3A_1324 = arith.constant 0 : i32
        %dma_start3A_1325 = arith.constant 0 : i32
        %dma_start3A_1326 = tpu.memref_slice %arg2[%add3A_1317, %dma_start3A_1324, %dma_start3A_1325] : memref<25600x1x128xi32, #tpu.memory_space<hbm>> -> memref<1x1x128xi32, #tpu.memory_space<hbm>>
        %dma_start3A_1327 = tpu.memref_squeeze %dma_start3A_1326 : memref<1x1x128xi32, #tpu.memory_space<hbm>> -> memref<1x128xi32, #tpu.memory_space<hbm>>
        %dma_start3A_1328 = tpu.memref_slice %arg8[%dma_start3A_1319] : memref<4x!tpu.dma_semaphore, #tpu.memory_space<semaphore_mem>> -> memref<1x!tpu.dma_semaphore, #tpu.memory_space<semaphore_mem>>
        %dma_start3A_1329 = tpu.memref_squeeze %dma_start3A_1328 : memref<1x!tpu.dma_semaphore, #tpu.memory_space<semaphore_mem>> -> memref<!tpu.dma_semaphore, #tpu.memory_space<semaphore_mem>>
        %dma_start3A_1330 = arith.constant 0 : i32
        %dma_start3A_1331 = arith.constant 0 : i32
        %dma_start3A_1332 = tpu.memref_slice %arg5[%dma_start3A_1318, %dma_start3A_1330, %dma_start3A_1331] : memref<4x1x128xi32, #tpu.memory_space<vmem>> -> memref<1x1x128xi32, #tpu.memory_space<vmem>>
        %dma_start3A_1333 = tpu.memref_squeeze %dma_start3A_1332 : memref<1x1x128xi32, #tpu.memory_space<vmem>> -> memref<1x128xi32, #tpu.memory_space<vmem>>
        %dma_start3A_1334 = arith.constant 0 : i32
        %dma_start3A_1335 = arith.constant 0 : i32
        %dma_start3A_1336 = tpu.memref_slice %arg2[%add3A_1317, %dma_start3A_1334, %dma_start3A_1335] : memref<25600x1x128xi32, #tpu.memory_space<hbm>> -> memref<1x1x128xi32, #tpu.memory_space<hbm>>
        %dma_start3A_1337 = tpu.memref_squeeze %dma_start3A_1336 : memref<1x1x128xi32, #tpu.memory_space<hbm>> -> memref<1x128xi32, #tpu.memory_space<hbm>>
        tpu.enqueue_dma source(%dma_start3A_1337 : memref<1x128xi32, #tpu.memory_space<hbm>>) target(%dma_start3A_1333 : memref<1x128xi32, #tpu.memory_space<vmem>>) target_semaphore(%dma_start3A_1329 : memref<!tpu.dma_semaphore, #tpu.memory_space<semaphore_mem>>)
      } else {
      }
      %mul3A_483 = arith.constant 4 : i32
      %mul3A_484 = arith.muli %scan3A_246, %mul3A_483 : i32
      %add3A_485 = arith.constant 1 : i32
      %add3A_486 = arith.addi %mul3A_484, %add3A_485 : i32
      %dma_wait3A_487 = arith.constant 0 : i32
      %dma_wait3A_488 = arith.constant 1 : i32
      %dma_wait3A_489 = arith.constant 1 : i32
      %dma_wait3A_490 = arith.constant 0 : i32
      %dma_wait3A_491 = arith.constant 0 : i32
      %dma_wait3A_492 = tpu.memref_slice %arg5[%dma_wait3A_488, %dma_wait3A_490, %dma_wait3A_491] : memref<4x1x128xi32, #tpu.memory_space<vmem>> -> memref<1x1x128xi32, #tpu.memory_space<vmem>>
      %dma_wait3A_493 = tpu.memref_squeeze %dma_wait3A_492 : memref<1x1x128xi32, #tpu.memory_space<vmem>> -> memref<1x128xi32, #tpu.memory_space<vmem>>
      %dma_wait3A_494 = arith.constant 0 : i32
      %dma_wait3A_495 = arith.constant 0 : i32
      %dma_wait3A_496 = tpu.memref_slice %arg2[%dma_wait3A_487, %dma_wait3A_494, %dma_wait3A_495] : memref<25600x1x128xi32, #tpu.memory_space<hbm>> -> memref<1x1x128xi32, #tpu.memory_space<hbm>>
      %dma_wait3A_497 = tpu.memref_squeeze %dma_wait3A_496 : memref<1x1x128xi32, #tpu.memory_space<hbm>> -> memref<1x128xi32, #tpu.memory_space<hbm>>
      %dma_wait3A_498 = tpu.memref_slice %arg8[%dma_wait3A_489] : memref<4x!tpu.dma_semaphore, #tpu.memory_space<semaphore_mem>> -> memref<1x!tpu.dma_semaphore, #tpu.memory_space<semaphore_mem>>
      %dma_wait3A_499 = tpu.memref_squeeze %dma_wait3A_498 : memref<1x!tpu.dma_semaphore, #tpu.memory_space<semaphore_mem>> -> memref<!tpu.dma_semaphore, #tpu.memory_space<semaphore_mem>>
      %dma_wait3A_500 = arith.constant 0 : i32
      %dma_wait3A_501 = arith.constant 0 : i32
      %dma_wait3A_502 = tpu.memref_slice %arg5[%dma_wait3A_488, %dma_wait3A_500, %dma_wait3A_501] : memref<4x1x128xi32, #tpu.memory_space<vmem>> -> memref<1x1x128xi32, #tpu.memory_space<vmem>>
      %dma_wait3A_503 = tpu.memref_squeeze %dma_wait3A_502 : memref<1x1x128xi32, #tpu.memory_space<vmem>> -> memref<1x128xi32, #tpu.memory_space<vmem>>
      %dma_wait3A_504 = arith.constant 0 : i32
      %dma_wait3A_505 = arith.constant 0 : i32
      %dma_wait3A_506 = tpu.memref_slice %arg2[%dma_wait3A_487, %dma_wait3A_504, %dma_wait3A_505] : memref<25600x1x128xi32, #tpu.memory_space<hbm>> -> memref<1x1x128xi32, #tpu.memory_space<hbm>>
      %dma_wait3A_507 = tpu.memref_squeeze %dma_wait3A_506 : memref<1x1x128xi32, #tpu.memory_space<hbm>> -> memref<1x128xi32, #tpu.memory_space<hbm>>
      tpu.wait_dma2 semaphore(%dma_wait3A_499 : memref<!tpu.dma_semaphore, #tpu.memory_space<semaphore_mem>>) src(%dma_wait3A_507 : memref<1x128xi32, #tpu.memory_space<hbm>>) dst(%dma_wait3A_503 : memref<1x128xi32, #tpu.memory_space<vmem>>)
      %gt3A_508 = arith.constant 0 : i32
      %gt3A_509 = arith.cmpi sgt, %scan3A_246, %gt3A_508 : i32
      %convert_element_type3A_510 = arith.extui %gt3A_509 : i1 to i32
      %cond3A_511 = arith.constant 0 : i32
      %cond3A_512 = arith.cmpi ne, %convert_element_type3A_510, %cond3A_511 : i32
      scf.if %cond3A_512 {
        %dma_wait3A_1276 = arith.constant 1 : i32
        %dma_wait3A_1277 = arith.constant 1 : i32
        %dma_wait3A_1278 = arith.constant 0 : i32
        %dma_wait3A_1279 = arith.constant 0 : i32
        %dma_wait3A_1280 = tpu.memref_slice %arg6[%dma_wait3A_1276, %dma_wait3A_1278, %dma_wait3A_1279] : memref<4x128x128xf32, #tpu.memory_space<vmem>> -> memref<1x128x128xf32, #tpu.memory_space<vmem>>
        %dma_wait3A_1281 = tpu.memref_squeeze %dma_wait3A_1280 : memref<1x128x128xf32, #tpu.memory_space<vmem>> -> memref<128x128xf32, #tpu.memory_space<vmem>>
        %dma_wait3A_1282 = arith.constant 0 : i32
        %dma_wait3A_1283 = arith.constant 0 : i32
        %dma_wait3A_1284 = tpu.memref_slice %arg4[%dma_wait3A_1282, %dma_wait3A_1283] : memref<3276800x128xf32, #tpu.memory_space<hbm>> -> memref<128x128xf32, #tpu.memory_space<hbm>>
        %dma_wait3A_1285 = tpu.memref_slice %arg10[%dma_wait3A_1277] : memref<4x!tpu.dma_semaphore, #tpu.memory_space<semaphore_mem>> -> memref<1x!tpu.dma_semaphore, #tpu.memory_space<semaphore_mem>>
        %dma_wait3A_1286 = tpu.memref_squeeze %dma_wait3A_1285 : memref<1x!tpu.dma_semaphore, #tpu.memory_space<semaphore_mem>> -> memref<!tpu.dma_semaphore, #tpu.memory_space<semaphore_mem>>
        %dma_wait3A_1287 = arith.constant 0 : i32
        %dma_wait3A_1288 = arith.constant 0 : i32
        %dma_wait3A_1289 = tpu.memref_slice %arg4[%dma_wait3A_1287, %dma_wait3A_1288] : memref<3276800x128xf32, #tpu.memory_space<hbm>> -> memref<128x128xf32, #tpu.memory_space<hbm>>
        %dma_wait3A_1290 = arith.constant 0 : i32
        %dma_wait3A_1291 = arith.constant 0 : i32
        %dma_wait3A_1292 = tpu.memref_slice %arg6[%dma_wait3A_1276, %dma_wait3A_1290, %dma_wait3A_1291] : memref<4x128x128xf32, #tpu.memory_space<vmem>> -> memref<1x128x128xf32, #tpu.memory_space<vmem>>
        %dma_wait3A_1293 = tpu.memref_squeeze %dma_wait3A_1292 : memref<1x128x128xf32, #tpu.memory_space<vmem>> -> memref<128x128xf32, #tpu.memory_space<vmem>>
        tpu.wait_dma2 semaphore(%dma_wait3A_1286 : memref<!tpu.dma_semaphore, #tpu.memory_space<semaphore_mem>>) src(%dma_wait3A_1293 : memref<128x128xf32, #tpu.memory_space<vmem>>) dst(%dma_wait3A_1289 : memref<128x128xf32, #tpu.memory_space<hbm>>)
      } else {
      }
      %get3A_513 = arith.constant 1 : i32
      %get3A_514 = arith.constant 0 : i32
      %get3A_515 = arith.constant 0 : i32
      %get3A_516 = arith.constant 0 : i32
      %get3A_517 = tpu.memref_slice %arg5[%get3A_513, %get3A_515, %get3A_516] : memref<4x1x128xi32, #tpu.memory_space<vmem>> -> memref<1x1x128xi32, #tpu.memory_space<vmem>>
      %get3A_518 = tpu.memref_squeeze %get3A_517 : memref<1x1x128xi32, #tpu.memory_space<vmem>> -> memref<1x128xi32, #tpu.memory_space<vmem>>
      %get3A_519 = arith.index_cast %get3A_514 : i32 to index
      %get3A_520 = arith.constant 0 : index
      %get3A_521 = tpu.vector_load %get3A_518[%get3A_519, %get3A_520] {strides = array<i32>} : memref<1x128xi32, #tpu.memory_space<vmem>>, vector<1x16xi32>,
      %get3A_522 = vector.shape_cast %get3A_521 : vector<1x16xi32> to vector<16xi32>
      %add3A_523 = vector.broadcast %mul3A_4 : i32 to vector<16xi32>
      %add3A_524 = arith.addi %get3A_522, %add3A_523 : vector<16xi32>
      %swap3A_525 = arith.constant 1 : i32
      %swap3A_526 = arith.constant 0 : i32
      %swap3A_527 = arith.constant 0 : i32
      %swap3A_528 = arith.constant 0 : i32
      %swap3A_529 = tpu.memref_slice %arg5[%swap3A_525, %swap3A_527, %swap3A_528] : memref<4x1x128xi32, #tpu.memory_space<vmem>> -> memref<1x1x128xi32, #tpu.memory_space<vmem>>
      %swap3A_530 = tpu.memref_squeeze %swap3A_529 : memref<1x1x128xi32, #tpu.memory_space<vmem>> -> memref<1x128xi32, #tpu.memory_space<vmem>>
      %swap3A_531 = arith.index_cast %swap3A_526 : i32 to index
      %swap3A_532 = arith.constant 0 : index
      %swap3A_533 = tpu.vector_load %swap3A_530[%swap3A_531, %swap3A_532] {strides = array<i32>} : memref<1x128xi32, #tpu.memory_space<vmem>>, vector<1x16xi32>,
      %swap3A_534 = vector.shape_cast %swap3A_533 : vector<1x16xi32> to vector<16xi32>
      %swap3A_535 = vector.shape_cast %add3A_524 : vector<16xi32> to vector<1x16xi32>
      tpu.vector_store %swap3A_530[%swap3A_531, %swap3A_532], %swap3A_535 {strides = array<i32>} : memref<1x128xi32, #tpu.memory_space<vmem>>, vector<1x16xi32>,
      %get3A_536 = arith.constant 1 : i32
      %get3A_537 = arith.constant 0 : i32
      %get3A_538 = arith.constant 0 : i32
      %get3A_539 = arith.constant 0 : i32
      %get3A_540 = tpu.memref_slice %arg5[%get3A_536, %get3A_538, %get3A_539] : memref<4x1x128xi32, #tpu.memory_space<vmem>> -> memref<1x1x128xi32, #tpu.memory_space<vmem>>
      %get3A_541 = tpu.memref_squeeze %get3A_540 : memref<1x1x128xi32, #tpu.memory_space<vmem>> -> memref<1x128xi32, #tpu.memory_space<vmem>>
      %get3A_542 = arith.index_cast %get3A_537 : i32 to index
      %get3A_543 = arith.constant 16 : index
      %get3A_544 = tpu.vector_load %get3A_541[%get3A_542, %get3A_543] {strides = array<i32>} : memref<1x128xi32, #tpu.memory_space<vmem>>, vector<1x16xi32>,
      %get3A_545 = vector.shape_cast %get3A_544 : vector<1x16xi32> to vector<16xi32>
      %add3A_546 = vector.broadcast %mul3A_4 : i32 to vector<16xi32>
      %add3A_547 = arith.addi %get3A_545, %add3A_546 : vector<16xi32>
      %swap3A_548 = arith.constant 1 : i32
      %swap3A_549 = arith.constant 0 : i32
      %swap3A_550 = arith.constant 0 : i32
      %swap3A_551 = arith.constant 0 : i32
      %swap3A_552 = tpu.memref_slice %arg5[%swap3A_548, %swap3A_550, %swap3A_551] : memref<4x1x128xi32, #tpu.memory_space<vmem>> -> memref<1x1x128xi32, #tpu.memory_space<vmem>>
      %swap3A_553 = tpu.memref_squeeze %swap3A_552 : memref<1x1x128xi32, #tpu.memory_space<vmem>> -> memref<1x128xi32, #tpu.memory_space<vmem>>
      %swap3A_554 = arith.index_cast %swap3A_549 : i32 to index
      %swap3A_555 = arith.constant 16 : index
      %swap3A_556 = tpu.vector_load %swap3A_553[%swap3A_554, %swap3A_555] {strides = array<i32>} : memref<1x128xi32, #tpu.memory_space<vmem>>, vector<1x16xi32>,
      %swap3A_557 = vector.shape_cast %swap3A_556 : vector<1x16xi32> to vector<16xi32>
      %swap3A_558 = vector.shape_cast %add3A_547 : vector<16xi32> to vector<1x16xi32>
      tpu.vector_store %swap3A_553[%swap3A_554, %swap3A_555], %swap3A_558 {strides = array<i32>} : memref<1x128xi32, #tpu.memory_space<vmem>>, vector<1x16xi32>,
      %get3A_559 = arith.constant 1 : i32
      %get3A_560 = arith.constant 0 : i32
      %get3A_561 = arith.constant 0 : i32
      %get3A_562 = arith.constant 0 : i32
      %get3A_563 = tpu.memref_slice %arg5[%get3A_559, %get3A_561, %get3A_562] : memref<4x1x128xi32, #tpu.memory_space<vmem>> -> memref<1x1x128xi32, #tpu.memory_space<vmem>>
      %get3A_564 = tpu.memref_squeeze %get3A_563 : memref<1x1x128xi32, #tpu.memory_space<vmem>> -> memref<1x128xi32, #tpu.memory_space<vmem>>
      %get3A_565 = arith.index_cast %get3A_560 : i32 to index
      %get3A_566 = arith.constant 32 : index
      %get3A_567 = tpu.vector_load %get3A_564[%get3A_565, %get3A_566] {strides = array<i32>} : memref<1x128xi32, #tpu.memory_space<vmem>>, vector<1x16xi32>,
      %get3A_568 = vector.shape_cast %get3A_567 : vector<1x16xi32> to vector<16xi32>
      %add3A_569 = vector.broadcast %mul3A_4 : i32 to vector<16xi32>
      %add3A_570 = arith.addi %get3A_568, %add3A_569 : vector<16xi32>
      %swap3A_571 = arith.constant 1 : i32
      %swap3A_572 = arith.constant 0 : i32
      %swap3A_573 = arith.constant 0 : i32
      %swap3A_574 = arith.constant 0 : i32
      %swap3A_575 = tpu.memref_slice %arg5[%swap3A_571, %swap3A_573, %swap3A_574] : memref<4x1x128xi32, #tpu.memory_space<vmem>> -> memref<1x1x128xi32, #tpu.memory_space<vmem>>
      %swap3A_576 = tpu.memref_squeeze %swap3A_575 : memref<1x1x128xi32, #tpu.memory_space<vmem>> -> memref<1x128xi32, #tpu.memory_space<vmem>>
      %swap3A_577 = arith.index_cast %swap3A_572 : i32 to index
      %swap3A_578 = arith.constant 32 : index
      %swap3A_579 = tpu.vector_load %swap3A_576[%swap3A_577, %swap3A_578] {strides = array<i32>} : memref<1x128xi32, #tpu.memory_space<vmem>>, vector<1x16xi32>,
      %swap3A_580 = vector.shape_cast %swap3A_579 : vector<1x16xi32> to vector<16xi32>
      %swap3A_581 = vector.shape_cast %add3A_570 : vector<16xi32> to vector<1x16xi32>
      tpu.vector_store %swap3A_576[%swap3A_577, %swap3A_578], %swap3A_581 {strides = array<i32>} : memref<1x128xi32, #tpu.memory_space<vmem>>, vector<1x16xi32>,
      %get3A_582 = arith.constant 1 : i32
      %get3A_583 = arith.constant 0 : i32
      %get3A_584 = arith.constant 0 : i32
      %get3A_585 = arith.constant 0 : i32
      %get3A_586 = tpu.memref_slice %arg5[%get3A_582, %get3A_584, %get3A_585] : memref<4x1x128xi32, #tpu.memory_space<vmem>> -> memref<1x1x128xi32, #tpu.memory_space<vmem>>
      %get3A_587 = tpu.memref_squeeze %get3A_586 : memref<1x1x128xi32, #tpu.memory_space<vmem>> -> memref<1x128xi32, #tpu.memory_space<vmem>>
      %get3A_588 = arith.index_cast %get3A_583 : i32 to index
      %get3A_589 = arith.constant 48 : index
      %get3A_590 = tpu.vector_load %get3A_587[%get3A_588, %get3A_589] {strides = array<i32>} : memref<1x128xi32, #tpu.memory_space<vmem>>, vector<1x16xi32>,
      %get3A_591 = vector.shape_cast %get3A_590 : vector<1x16xi32> to vector<16xi32>
      %add3A_592 = vector.broadcast %mul3A_4 : i32 to vector<16xi32>
      %add3A_593 = arith.addi %get3A_591, %add3A_592 : vector<16xi32>
      %swap3A_594 = arith.constant 1 : i32
      %swap3A_595 = arith.constant 0 : i32
      %swap3A_596 = arith.constant 0 : i32
      %swap3A_597 = arith.constant 0 : i32
      %swap3A_598 = tpu.memref_slice %arg5[%swap3A_594, %swap3A_596, %swap3A_597] : memref<4x1x128xi32, #tpu.memory_space<vmem>> -> memref<1x1x128xi32, #tpu.memory_space<vmem>>
      %swap3A_599 = tpu.memref_squeeze %swap3A_598 : memref<1x1x128xi32, #tpu.memory_space<vmem>> -> memref<1x128xi32, #tpu.memory_space<vmem>>
      %swap3A_600 = arith.index_cast %swap3A_595 : i32 to index
      %swap3A_601 = arith.constant 48 : index
      %swap3A_602 = tpu.vector_load %swap3A_599[%swap3A_600, %swap3A_601] {strides = array<i32>} : memref<1x128xi32, #tpu.memory_space<vmem>>, vector<1x16xi32>,
      %swap3A_603 = vector.shape_cast %swap3A_602 : vector<1x16xi32> to vector<16xi32>
      %swap3A_604 = vector.shape_cast %add3A_593 : vector<16xi32> to vector<1x16xi32>
      tpu.vector_store %swap3A_599[%swap3A_600, %swap3A_601], %swap3A_604 {strides = array<i32>} : memref<1x128xi32, #tpu.memory_space<vmem>>, vector<1x16xi32>,
      %get3A_605 = arith.constant 1 : i32
      %get3A_606 = arith.constant 0 : i32
      %get3A_607 = arith.constant 0 : i32
      %get3A_608 = arith.constant 0 : i32
      %get3A_609 = tpu.memref_slice %arg5[%get3A_605, %get3A_607, %get3A_608] : memref<4x1x128xi32, #tpu.memory_space<vmem>> -> memref<1x1x128xi32, #tpu.memory_space<vmem>>
      %get3A_610 = tpu.memref_squeeze %get3A_609 : memref<1x1x128xi32, #tpu.memory_space<vmem>> -> memref<1x128xi32, #tpu.memory_space<vmem>>
      %get3A_611 = arith.index_cast %get3A_606 : i32 to index
      %get3A_612 = arith.constant 64 : index
      %get3A_613 = tpu.vector_load %get3A_610[%get3A_611, %get3A_612] {strides = array<i32>} : memref<1x128xi32, #tpu.memory_space<vmem>>, vector<1x16xi32>,
      %get3A_614 = vector.shape_cast %get3A_613 : vector<1x16xi32> to vector<16xi32>
      %add3A_615 = vector.broadcast %mul3A_4 : i32 to vector<16xi32>
      %add3A_616 = arith.addi %get3A_614, %add3A_615 : vector<16xi32>
      %swap3A_617 = arith.constant 1 : i32
      %swap3A_618 = arith.constant 0 : i32
      %swap3A_619 = arith.constant 0 : i32
      %swap3A_620 = arith.constant 0 : i32
      %swap3A_621 = tpu.memref_slice %arg5[%swap3A_617, %swap3A_619, %swap3A_620] : memref<4x1x128xi32, #tpu.memory_space<vmem>> -> memref<1x1x128xi32, #tpu.memory_space<vmem>>
      %swap3A_622 = tpu.memref_squeeze %swap3A_621 : memref<1x1x128xi32, #tpu.memory_space<vmem>> -> memref<1x128xi32, #tpu.memory_space<vmem>>
      %swap3A_623 = arith.index_cast %swap3A_618 : i32 to index
      %swap3A_624 = arith.constant 64 : index
      %swap3A_625 = tpu.vector_load %swap3A_622[%swap3A_623, %swap3A_624] {strides = array<i32>} : memref<1x128xi32, #tpu.memory_space<vmem>>, vector<1x16xi32>,
      %swap3A_626 = vector.shape_cast %swap3A_625 : vector<1x16xi32> to vector<16xi32>
      %swap3A_627 = vector.shape_cast %add3A_616 : vector<16xi32> to vector<1x16xi32>
      tpu.vector_store %swap3A_622[%swap3A_623, %swap3A_624], %swap3A_627 {strides = array<i32>} : memref<1x128xi32, #tpu.memory_space<vmem>>, vector<1x16xi32>,
      %get3A_628 = arith.constant 1 : i32
      %get3A_629 = arith.constant 0 : i32
      %get3A_630 = arith.constant 0 : i32
      %get3A_631 = arith.constant 0 : i32
      %get3A_632 = tpu.memref_slice %arg5[%get3A_628, %get3A_630, %get3A_631] : memref<4x1x128xi32, #tpu.memory_space<vmem>> -> memref<1x1x128xi32, #tpu.memory_space<vmem>>
      %get3A_633 = tpu.memref_squeeze %get3A_632 : memref<1x1x128xi32, #tpu.memory_space<vmem>> -> memref<1x128xi32, #tpu.memory_space<vmem>>
      %get3A_634 = arith.index_cast %get3A_629 : i32 to index
      %get3A_635 = arith.constant 80 : index
      %get3A_636 = tpu.vector_load %get3A_633[%get3A_634, %get3A_635] {strides = array<i32>} : memref<1x128xi32, #tpu.memory_space<vmem>>, vector<1x16xi32>,
      %get3A_637 = vector.shape_cast %get3A_636 : vector<1x16xi32> to vector<16xi32>
      %add3A_638 = vector.broadcast %mul3A_4 : i32 to vector<16xi32>
      %add3A_639 = arith.addi %get3A_637, %add3A_638 : vector<16xi32>
      %swap3A_640 = arith.constant 1 : i32
      %swap3A_641 = arith.constant 0 : i32
      %swap3A_642 = arith.constant 0 : i32
      %swap3A_643 = arith.constant 0 : i32
      %swap3A_644 = tpu.memref_slice %arg5[%swap3A_640, %swap3A_642, %swap3A_643] : memref<4x1x128xi32, #tpu.memory_space<vmem>> -> memref<1x1x128xi32, #tpu.memory_space<vmem>>
      %swap3A_645 = tpu.memref_squeeze %swap3A_644 : memref<1x1x128xi32, #tpu.memory_space<vmem>> -> memref<1x128xi32, #tpu.memory_space<vmem>>
      %swap3A_646 = arith.index_cast %swap3A_641 : i32 to index
      %swap3A_647 = arith.constant 80 : index
      %swap3A_648 = tpu.vector_load %swap3A_645[%swap3A_646, %swap3A_647] {strides = array<i32>} : memref<1x128xi32, #tpu.memory_space<vmem>>, vector<1x16xi32>,
      %swap3A_649 = vector.shape_cast %swap3A_648 : vector<1x16xi32> to vector<16xi32>
      %swap3A_650 = vector.shape_cast %add3A_639 : vector<16xi32> to vector<1x16xi32>
      tpu.vector_store %swap3A_645[%swap3A_646, %swap3A_647], %swap3A_650 {strides = array<i32>} : memref<1x128xi32, #tpu.memory_space<vmem>>, vector<1x16xi32>,
      %get3A_651 = arith.constant 1 : i32
      %get3A_652 = arith.constant 0 : i32
      %get3A_653 = arith.constant 0 : i32
      %get3A_654 = arith.constant 0 : i32
      %get3A_655 = tpu.memref_slice %arg5[%get3A_651, %get3A_653, %get3A_654] : memref<4x1x128xi32, #tpu.memory_space<vmem>> -> memref<1x1x128xi32, #tpu.memory_space<vmem>>
      %get3A_656 = tpu.memref_squeeze %get3A_655 : memref<1x1x128xi32, #tpu.memory_space<vmem>> -> memref<1x128xi32, #tpu.memory_space<vmem>>
      %get3A_657 = arith.index_cast %get3A_652 : i32 to index
      %get3A_658 = arith.constant 96 : index
      %get3A_659 = tpu.vector_load %get3A_656[%get3A_657, %get3A_658] {strides = array<i32>} : memref<1x128xi32, #tpu.memory_space<vmem>>, vector<1x16xi32>,
      %get3A_660 = vector.shape_cast %get3A_659 : vector<1x16xi32> to vector<16xi32>
      %add3A_661 = vector.broadcast %mul3A_4 : i32 to vector<16xi32>
      %add3A_662 = arith.addi %get3A_660, %add3A_661 : vector<16xi32>
      %swap3A_663 = arith.constant 1 : i32
      %swap3A_664 = arith.constant 0 : i32
      %swap3A_665 = arith.constant 0 : i32
      %swap3A_666 = arith.constant 0 : i32
      %swap3A_667 = tpu.memref_slice %arg5[%swap3A_663, %swap3A_665, %swap3A_666] : memref<4x1x128xi32, #tpu.memory_space<vmem>> -> memref<1x1x128xi32, #tpu.memory_space<vmem>>
      %swap3A_668 = tpu.memref_squeeze %swap3A_667 : memref<1x1x128xi32, #tpu.memory_space<vmem>> -> memref<1x128xi32, #tpu.memory_space<vmem>>
      %swap3A_669 = arith.index_cast %swap3A_664 : i32 to index
      %swap3A_670 = arith.constant 96 : index
      %swap3A_671 = tpu.vector_load %swap3A_668[%swap3A_669, %swap3A_670] {strides = array<i32>} : memref<1x128xi32, #tpu.memory_space<vmem>>, vector<1x16xi32>,
      %swap3A_672 = vector.shape_cast %swap3A_671 : vector<1x16xi32> to vector<16xi32>
      %swap3A_673 = vector.shape_cast %add3A_662 : vector<16xi32> to vector<1x16xi32>
      tpu.vector_store %swap3A_668[%swap3A_669, %swap3A_670], %swap3A_673 {strides = array<i32>} : memref<1x128xi32, #tpu.memory_space<vmem>>, vector<1x16xi32>,
      %get3A_674 = arith.constant 1 : i32
      %get3A_675 = arith.constant 0 : i32
      %get3A_676 = arith.constant 0 : i32
      %get3A_677 = arith.constant 0 : i32
      %get3A_678 = tpu.memref_slice %arg5[%get3A_674, %get3A_676, %get3A_677] : memref<4x1x128xi32, #tpu.memory_space<vmem>> -> memref<1x1x128xi32, #tpu.memory_space<vmem>>
      %get3A_679 = tpu.memref_squeeze %get3A_678 : memref<1x1x128xi32, #tpu.memory_space<vmem>> -> memref<1x128xi32, #tpu.memory_space<vmem>>
      %get3A_680 = arith.index_cast %get3A_675 : i32 to index
      %get3A_681 = arith.constant 112 : index
      %get3A_682 = tpu.vector_load %get3A_679[%get3A_680, %get3A_681] {strides = array<i32>} : memref<1x128xi32, #tpu.memory_space<vmem>>, vector<1x16xi32>,
      %get3A_683 = vector.shape_cast %get3A_682 : vector<1x16xi32> to vector<16xi32>
      %add3A_684 = vector.broadcast %mul3A_4 : i32 to vector<16xi32>
      %add3A_685 = arith.addi %get3A_683, %add3A_684 : vector<16xi32>
      %swap3A_686 = arith.constant 1 : i32
      %swap3A_687 = arith.constant 0 : i32
      %swap3A_688 = arith.constant 0 : i32
      %swap3A_689 = arith.constant 0 : i32
      %swap3A_690 = tpu.memref_slice %arg5[%swap3A_686, %swap3A_688, %swap3A_689] : memref<4x1x128xi32, #tpu.memory_space<vmem>> -> memref<1x1x128xi32, #tpu.memory_space<vmem>>
      %swap3A_691 = tpu.memref_squeeze %swap3A_690 : memref<1x1x128xi32, #tpu.memory_space<vmem>> -> memref<1x128xi32, #tpu.memory_space<vmem>>
      %swap3A_692 = arith.index_cast %swap3A_687 : i32 to index
      %swap3A_693 = arith.constant 112 : index
      %swap3A_694 = tpu.vector_load %swap3A_691[%swap3A_692, %swap3A_693] {strides = array<i32>} : memref<1x128xi32, #tpu.memory_space<vmem>>, vector<1x16xi32>,
      %swap3A_695 = vector.shape_cast %swap3A_694 : vector<1x16xi32> to vector<16xi32>
      %swap3A_696 = vector.shape_cast %add3A_685 : vector<16xi32> to vector<1x16xi32>
      tpu.vector_store %swap3A_691[%swap3A_692, %swap3A_693], %swap3A_696 {strides = array<i32>} : memref<1x128xi32, #tpu.memory_space<vmem>>, vector<1x16xi32>,
      %dma_start3A_697 = arith.constant 1 : i32
      %dma_start3A_698 = arith.constant 0 : i32
      %dma_start3A_699 = arith.constant 1 : i32
      %dma_start3A_700 = arith.constant 1 : i32
      %dma_start3A_701 = arith.constant 0 : i32
      %dma_start3A_702 = arith.constant 0 : i32
      %dma_start3A_703 = tpu.memref_slice %arg6[%dma_start3A_699, %dma_start3A_701, %dma_start3A_702] : memref<4x128x128xf32, #tpu.memory_space<vmem>> -> memref<1x128x128xf32, #tpu.memory_space<vmem>>
      %dma_start3A_704 = tpu.memref_squeeze %dma_start3A_703 : memref<1x128x128xf32, #tpu.memory_space<vmem>> -> memref<128x128xf32, #tpu.memory_space<vmem>>
      %dma_start3A_705 = arith.constant 0 : i32
      %dma_start3A_706 = arith.constant 0 : i32
      %dma_start3A_707 = tpu.memref_slice %arg5[%dma_start3A_697, %dma_start3A_705, %dma_start3A_706] : memref<4x1x128xi32, #tpu.memory_space<vmem>> -> memref<1x1x128xi32, #tpu.memory_space<vmem>>
      %dma_start3A_708 = tpu.memref_squeeze %dma_start3A_707 : memref<1x1x128xi32, #tpu.memory_space<vmem>> -> memref<1x128xi32, #tpu.memory_space<vmem>>
      %dma_start3A_709 = arith.constant 0 : i32
      %dma_start3A_710 = tpu.memref_slice %dma_start3A_708[%dma_start3A_698, %dma_start3A_709] : memref<1x128xi32, #tpu.memory_space<vmem>> -> memref<1x128xi32, #tpu.memory_space<vmem>>
      %dma_start3A_711 = tpu.memref_squeeze %dma_start3A_710 : memref<1x128xi32, #tpu.memory_space<vmem>> -> memref<128xi32, #tpu.memory_space<vmem>>
      %dma_start3A_712 = arith.constant 0 : i32
      %dma_start3A_713 = arith.constant 0 : i32
      %dma_start3A_714 = tpu.memref_slice %arg7[%dma_start3A_712, %dma_start3A_713] : memref<4096x128xf32, #tpu.memory_space<vmem_shared>> -> memref<4096x128xf32, #tpu.memory_space<vmem_shared>>
      %dma_start3A_715 = tpu.memref_slice %arg9[%dma_start3A_700] : memref<4x!tpu.dma_semaphore, #tpu.memory_space<semaphore_mem>> -> memref<1x!tpu.dma_semaphore, #tpu.memory_space<semaphore_mem>>
      %dma_start3A_716 = tpu.memref_squeeze %dma_start3A_715 : memref<1x!tpu.dma_semaphore, #tpu.memory_space<semaphore_mem>> -> memref<!tpu.dma_semaphore, #tpu.memory_space<semaphore_mem>>
      tpu.enqueue_indirect_dma source(%dma_start3A_714 : memref<4096x128xf32, #tpu.memory_space<vmem_shared>>) target(%dma_start3A_704 : memref<128x128xf32, #tpu.memory_space<vmem>>) offsets(%dma_start3A_711 : memref<128xi32, #tpu.memory_space<vmem>>) semaphore(%dma_start3A_716 : memref<!tpu.dma_semaphore, #tpu.memory_space<semaphore_mem>>)
      %gt3A_717 = arith.constant 0 : i32
      %gt3A_718 = arith.cmpi sgt, %scan3A_246, %gt3A_717 : i32
      %convert_element_type3A_719 = arith.extui %gt3A_718 : i1 to i32
      %cond3A_720 = arith.constant 0 : i32
      %cond3A_721 = arith.cmpi ne, %convert_element_type3A_719, %cond3A_720 : i32
      scf.if %cond3A_721 {
        %sub3A_1276 = arith.constant 2 : i32
        %sub3A_1277 = arith.subi %add3A_486, %sub3A_1276 : i32
        %dma_wait3A_1278 = arith.constant 3 : i32
        %dma_wait3A_1279 = arith.constant 3 : i32
        %dma_wait3A_1280 = arith.constant 0 : i32
        %dma_wait3A_1281 = arith.constant 0 : i32
        %dma_wait3A_1282 = tpu.memref_slice %arg6[%dma_wait3A_1278, %dma_wait3A_1280, %dma_wait3A_1281] : memref<4x128x128xf32, #tpu.memory_space<vmem>> -> memref<1x128x128xf32, #tpu.memory_space<vmem>>
        %dma_wait3A_1283 = tpu.memref_squeeze %dma_wait3A_1282 : memref<1x128x128xf32, #tpu.memory_space<vmem>> -> memref<128x128xf32, #tpu.memory_space<vmem>>
        %dma_wait3A_1284 = arith.constant 0 : i32
        %dma_wait3A_1285 = arith.constant 0 : i32
        %dma_wait3A_1286 = tpu.memref_slice %arg4[%dma_wait3A_1284, %dma_wait3A_1285] : memref<3276800x128xf32, #tpu.memory_space<hbm>> -> memref<128x128xf32, #tpu.memory_space<hbm>>
        %dma_wait3A_1287 = tpu.memref_slice %arg9[%dma_wait3A_1279] : memref<4x!tpu.dma_semaphore, #tpu.memory_space<semaphore_mem>> -> memref<1x!tpu.dma_semaphore, #tpu.memory_space<semaphore_mem>>
        %dma_wait3A_1288 = tpu.memref_squeeze %dma_wait3A_1287 : memref<1x!tpu.dma_semaphore, #tpu.memory_space<semaphore_mem>> -> memref<!tpu.dma_semaphore, #tpu.memory_space<semaphore_mem>>
        %dma_wait3A_1289 = arith.constant 0 : i32
        %dma_wait3A_1290 = arith.constant 0 : i32
        %dma_wait3A_1291 = tpu.memref_slice %arg6[%dma_wait3A_1278, %dma_wait3A_1289, %dma_wait3A_1290] : memref<4x128x128xf32, #tpu.memory_space<vmem>> -> memref<1x128x128xf32, #tpu.memory_space<vmem>>
        %dma_wait3A_1292 = tpu.memref_squeeze %dma_wait3A_1291 : memref<1x128x128xf32, #tpu.memory_space<vmem>> -> memref<128x128xf32, #tpu.memory_space<vmem>>
        %dma_wait3A_1293 = arith.constant 0 : i32
        %dma_wait3A_1294 = arith.constant 0 : i32
        %dma_wait3A_1295 = tpu.memref_slice %arg4[%dma_wait3A_1293, %dma_wait3A_1294] : memref<3276800x128xf32, #tpu.memory_space<hbm>> -> memref<128x128xf32, #tpu.memory_space<hbm>>
        tpu.wait_dma2 semaphore(%dma_wait3A_1288 : memref<!tpu.dma_semaphore, #tpu.memory_space<semaphore_mem>>) src(%dma_wait3A_1295 : memref<128x128xf32, #tpu.memory_space<hbm>>) dst(%dma_wait3A_1292 : memref<128x128xf32, #tpu.memory_space<vmem>>)
        %add3A_1296 = arith.addi %mul3A_2, %sub3A_1277 : i32
        %mul3A_1297 = arith.constant 128 : i32
        %mul3A_1298 = arith.muli %add3A_1296, %mul3A_1297 : i32
        %dma_start3A_1299 = arith.constant 3 : i32
        %dma_start3A_1300 = arith.constant 3 : i32
        %dma_start3A_1301 = arith.constant 0 : i32
        %dma_start3A_1302 = arith.constant 0 : i32
        %dma_start3A_1303 = tpu.memref_slice %arg6[%dma_start3A_1299, %dma_start3A_1301, %dma_start3A_1302] : memref<4x128x128xf32, #tpu.memory_space<vmem>> -> memref<1x128x128xf32, #tpu.memory_space<vmem>>
        %dma_start3A_1304 = tpu.memref_squeeze %dma_start3A_1303 : memref<1x128x128xf32, #tpu.memory_space<vmem>> -> memref<128x128xf32, #tpu.memory_space<vmem>>
        %dma_start3A_1305 = arith.constant 0 : i32
        %dma_start3A_1306 = tpu.memref_slice %arg4[%mul3A_1298, %dma_start3A_1305] : memref<3276800x128xf32, #tpu.memory_space<hbm>> -> memref<128x128xf32, #tpu.memory_space<hbm>>
        %dma_start3A_1307 = tpu.memref_slice %arg10[%dma_start3A_1300] : memref<4x!tpu.dma_semaphore, #tpu.memory_space<semaphore_mem>> -> memref<1x!tpu.dma_semaphore, #tpu.memory_space<semaphore_mem>>
        %dma_start3A_1308 = tpu.memref_squeeze %dma_start3A_1307 : memref<1x!tpu.dma_semaphore, #tpu.memory_space<semaphore_mem>> -> memref<!tpu.dma_semaphore, #tpu.memory_space<semaphore_mem>>
        %dma_start3A_1309 = arith.constant 0 : i32
        %dma_start3A_1310 = tpu.memref_slice %arg4[%mul3A_1298, %dma_start3A_1309] : memref<3276800x128xf32, #tpu.memory_space<hbm>> -> memref<128x128xf32, #tpu.memory_space<hbm>>
        %dma_start3A_1311 = arith.constant 0 : i32
        %dma_start3A_1312 = arith.constant 0 : i32
        %dma_start3A_1313 = tpu.memref_slice %arg6[%dma_start3A_1299, %dma_start3A_1311, %dma_start3A_1312] : memref<4x128x128xf32, #tpu.memory_space<vmem>> -> memref<1x128x128xf32, #tpu.memory_space<vmem>>
        %dma_start3A_1314 = tpu.memref_squeeze %dma_start3A_1313 : memref<1x128x128xf32, #tpu.memory_space<vmem>> -> memref<128x128xf32, #tpu.memory_space<vmem>>
        tpu.enqueue_dma source(%dma_start3A_1314 : memref<128x128xf32, #tpu.memory_space<vmem>>) target(%dma_start3A_1310 : memref<128x128xf32, #tpu.memory_space<hbm>>) target_semaphore(%dma_start3A_1308 : memref<!tpu.dma_semaphore, #tpu.memory_space<semaphore_mem>>)
        %add3A_1315 = arith.constant 2 : i32
        %add3A_1316 = arith.addi %add3A_486, %add3A_1315 : i32
        %add3A_1317 = arith.addi %mul3A_2, %add3A_1316 : i32
        %dma_start3A_1318 = arith.constant 3 : i32
        %dma_start3A_1319 = arith.constant 3 : i32
        %dma_start3A_1320 = arith.constant 0 : i32
        %dma_start3A_1321 = arith.constant 0 : i32
        %dma_start3A_1322 = tpu.memref_slice %arg5[%dma_start3A_1318, %dma_start3A_1320, %dma_start3A_1321] : memref<4x1x128xi32, #tpu.memory_space<vmem>> -> memref<1x1x128xi32, #tpu.memory_space<vmem>>
        %dma_start3A_1323 = tpu.memref_squeeze %dma_start3A_1322 : memref<1x1x128xi32, #tpu.memory_space<vmem>> -> memref<1x128xi32, #tpu.memory_space<vmem>>
        %dma_start3A_1324 = arith.constant 0 : i32
        %dma_start3A_1325 = arith.constant 0 : i32
        %dma_start3A_1326 = tpu.memref_slice %arg2[%add3A_1317, %dma_start3A_1324, %dma_start3A_1325] : memref<25600x1x128xi32, #tpu.memory_space<hbm>> -> memref<1x1x128xi32, #tpu.memory_space<hbm>>
        %dma_start3A_1327 = tpu.memref_squeeze %dma_start3A_1326 : memref<1x1x128xi32, #tpu.memory_space<hbm>> -> memref<1x128xi32, #tpu.memory_space<hbm>>
        %dma_start3A_1328 = tpu.memref_slice %arg8[%dma_start3A_1319] : memref<4x!tpu.dma_semaphore, #tpu.memory_space<semaphore_mem>> -> memref<1x!tpu.dma_semaphore, #tpu.memory_space<semaphore_mem>>
        %dma_start3A_1329 = tpu.memref_squeeze %dma_start3A_1328 : memref<1x!tpu.dma_semaphore, #tpu.memory_space<semaphore_mem>> -> memref<!tpu.dma_semaphore, #tpu.memory_space<semaphore_mem>>
        %dma_start3A_1330 = arith.constant 0 : i32
        %dma_start3A_1331 = arith.constant 0 : i32
        %dma_start3A_1332 = tpu.memref_slice %arg5[%dma_start3A_1318, %dma_start3A_1330, %dma_start3A_1331] : memref<4x1x128xi32, #tpu.memory_space<vmem>> -> memref<1x1x128xi32, #tpu.memory_space<vmem>>
        %dma_start3A_1333 = tpu.memref_squeeze %dma_start3A_1332 : memref<1x1x128xi32, #tpu.memory_space<vmem>> -> memref<1x128xi32, #tpu.memory_space<vmem>>
        %dma_start3A_1334 = arith.constant 0 : i32
        %dma_start3A_1335 = arith.constant 0 : i32
        %dma_start3A_1336 = tpu.memref_slice %arg2[%add3A_1317, %dma_start3A_1334, %dma_start3A_1335] : memref<25600x1x128xi32, #tpu.memory_space<hbm>> -> memref<1x1x128xi32, #tpu.memory_space<hbm>>
        %dma_start3A_1337 = tpu.memref_squeeze %dma_start3A_1336 : memref<1x1x128xi32, #tpu.memory_space<hbm>> -> memref<1x128xi32, #tpu.memory_space<hbm>>
        tpu.enqueue_dma source(%dma_start3A_1337 : memref<1x128xi32, #tpu.memory_space<hbm>>) target(%dma_start3A_1333 : memref<1x128xi32, #tpu.memory_space<vmem>>) target_semaphore(%dma_start3A_1329 : memref<!tpu.dma_semaphore, #tpu.memory_space<semaphore_mem>>)
      } else {
      }
      %mul3A_722 = arith.constant 4 : i32
      %mul3A_723 = arith.muli %scan3A_246, %mul3A_722 : i32
      %add3A_724 = arith.constant 2 : i32
      %add3A_725 = arith.addi %mul3A_723, %add3A_724 : i32
      %dma_wait3A_726 = arith.constant 0 : i32
      %dma_wait3A_727 = arith.constant 2 : i32
      %dma_wait3A_728 = arith.constant 2 : i32
      %dma_wait3A_729 = arith.constant 0 : i32
      %dma_wait3A_730 = arith.constant 0 : i32
      %dma_wait3A_731 = tpu.memref_slice %arg5[%dma_wait3A_727, %dma_wait3A_729, %dma_wait3A_730] : memref<4x1x128xi32, #tpu.memory_space<vmem>> -> memref<1x1x128xi32, #tpu.memory_space<vmem>>
      %dma_wait3A_732 = tpu.memref_squeeze %dma_wait3A_731 : memref<1x1x128xi32, #tpu.memory_space<vmem>> -> memref<1x128xi32, #tpu.memory_space<vmem>>
      %dma_wait3A_733 = arith.constant 0 : i32
      %dma_wait3A_734 = arith.constant 0 : i32
      %dma_wait3A_735 = tpu.memref_slice %arg2[%dma_wait3A_726, %dma_wait3A_733, %dma_wait3A_734] : memref<25600x1x128xi32, #tpu.memory_space<hbm>> -> memref<1x1x128xi32, #tpu.memory_space<hbm>>
      %dma_wait3A_736 = tpu.memref_squeeze %dma_wait3A_735 : memref<1x1x128xi32, #tpu.memory_space<hbm>> -> memref<1x128xi32, #tpu.memory_space<hbm>>
      %dma_wait3A_737 = tpu.memref_slice %arg8[%dma_wait3A_728] : memref<4x!tpu.dma_semaphore, #tpu.memory_space<semaphore_mem>> -> memref<1x!tpu.dma_semaphore, #tpu.memory_space<semaphore_mem>>
      %dma_wait3A_738 = tpu.memref_squeeze %dma_wait3A_737 : memref<1x!tpu.dma_semaphore, #tpu.memory_space<semaphore_mem>> -> memref<!tpu.dma_semaphore, #tpu.memory_space<semaphore_mem>>
      %dma_wait3A_739 = arith.constant 0 : i32
      %dma_wait3A_740 = arith.constant 0 : i32
      %dma_wait3A_741 = tpu.memref_slice %arg5[%dma_wait3A_727, %dma_wait3A_739, %dma_wait3A_740] : memref<4x1x128xi32, #tpu.memory_space<vmem>> -> memref<1x1x128xi32, #tpu.memory_space<vmem>>
      %dma_wait3A_742 = tpu.memref_squeeze %dma_wait3A_741 : memref<1x1x128xi32, #tpu.memory_space<vmem>> -> memref<1x128xi32, #tpu.memory_space<vmem>>
      %dma_wait3A_743 = arith.constant 0 : i32
      %dma_wait3A_744 = arith.constant 0 : i32
      %dma_wait3A_745 = tpu.memref_slice %arg2[%dma_wait3A_726, %dma_wait3A_743, %dma_wait3A_744] : memref<25600x1x128xi32, #tpu.memory_space<hbm>> -> memref<1x1x128xi32, #tpu.memory_space<hbm>>
      %dma_wait3A_746 = tpu.memref_squeeze %dma_wait3A_745 : memref<1x1x128xi32, #tpu.memory_space<hbm>> -> memref<1x128xi32, #tpu.memory_space<hbm>>
      tpu.wait_dma2 semaphore(%dma_wait3A_738 : memref<!tpu.dma_semaphore, #tpu.memory_space<semaphore_mem>>) src(%dma_wait3A_746 : memref<1x128xi32, #tpu.memory_space<hbm>>) dst(%dma_wait3A_742 : memref<1x128xi32, #tpu.memory_space<vmem>>)
      %gt3A_747 = arith.constant 0 : i32
      %gt3A_748 = arith.cmpi sgt, %scan3A_246, %gt3A_747 : i32
      %convert_element_type3A_749 = arith.extui %gt3A_748 : i1 to i32
      %cond3A_750 = arith.constant 0 : i32
      %cond3A_751 = arith.cmpi ne, %convert_element_type3A_749, %cond3A_750 : i32
      scf.if %cond3A_751 {
        %dma_wait3A_1276 = arith.constant 2 : i32
        %dma_wait3A_1277 = arith.constant 2 : i32
        %dma_wait3A_1278 = arith.constant 0 : i32
        %dma_wait3A_1279 = arith.constant 0 : i32
        %dma_wait3A_1280 = tpu.memref_slice %arg6[%dma_wait3A_1276, %dma_wait3A_1278, %dma_wait3A_1279] : memref<4x128x128xf32, #tpu.memory_space<vmem>> -> memref<1x128x128xf32, #tpu.memory_space<vmem>>
        %dma_wait3A_1281 = tpu.memref_squeeze %dma_wait3A_1280 : memref<1x128x128xf32, #tpu.memory_space<vmem>> -> memref<128x128xf32, #tpu.memory_space<vmem>>
        %dma_wait3A_1282 = arith.constant 0 : i32
        %dma_wait3A_1283 = arith.constant 0 : i32
        %dma_wait3A_1284 = tpu.memref_slice %arg4[%dma_wait3A_1282, %dma_wait3A_1283] : memref<3276800x128xf32, #tpu.memory_space<hbm>> -> memref<128x128xf32, #tpu.memory_space<hbm>>
        %dma_wait3A_1285 = tpu.memref_slice %arg10[%dma_wait3A_1277] : memref<4x!tpu.dma_semaphore, #tpu.memory_space<semaphore_mem>> -> memref<1x!tpu.dma_semaphore, #tpu.memory_space<semaphore_mem>>
        %dma_wait3A_1286 = tpu.memref_squeeze %dma_wait3A_1285 : memref<1x!tpu.dma_semaphore, #tpu.memory_space<semaphore_mem>> -> memref<!tpu.dma_semaphore, #tpu.memory_space<semaphore_mem>>
        %dma_wait3A_1287 = arith.constant 0 : i32
        %dma_wait3A_1288 = arith.constant 0 : i32
        %dma_wait3A_1289 = tpu.memref_slice %arg4[%dma_wait3A_1287, %dma_wait3A_1288] : memref<3276800x128xf32, #tpu.memory_space<hbm>> -> memref<128x128xf32, #tpu.memory_space<hbm>>
        %dma_wait3A_1290 = arith.constant 0 : i32
        %dma_wait3A_1291 = arith.constant 0 : i32
        %dma_wait3A_1292 = tpu.memref_slice %arg6[%dma_wait3A_1276, %dma_wait3A_1290, %dma_wait3A_1291] : memref<4x128x128xf32, #tpu.memory_space<vmem>> -> memref<1x128x128xf32, #tpu.memory_space<vmem>>
        %dma_wait3A_1293 = tpu.memref_squeeze %dma_wait3A_1292 : memref<1x128x128xf32, #tpu.memory_space<vmem>> -> memref<128x128xf32, #tpu.memory_space<vmem>>
        tpu.wait_dma2 semaphore(%dma_wait3A_1286 : memref<!tpu.dma_semaphore, #tpu.memory_space<semaphore_mem>>) src(%dma_wait3A_1293 : memref<128x128xf32, #tpu.memory_space<vmem>>) dst(%dma_wait3A_1289 : memref<128x128xf32, #tpu.memory_space<hbm>>)
      } else {
      }
      %get3A_752 = arith.constant 2 : i32
      %get3A_753 = arith.constant 0 : i32
      %get3A_754 = arith.constant 0 : i32
      %get3A_755 = arith.constant 0 : i32
      %get3A_756 = tpu.memref_slice %arg5[%get3A_752, %get3A_754, %get3A_755] : memref<4x1x128xi32, #tpu.memory_space<vmem>> -> memref<1x1x128xi32, #tpu.memory_space<vmem>>
      %get3A_757 = tpu.memref_squeeze %get3A_756 : memref<1x1x128xi32, #tpu.memory_space<vmem>> -> memref<1x128xi32, #tpu.memory_space<vmem>>
      %get3A_758 = arith.index_cast %get3A_753 : i32 to index
      %get3A_759 = arith.constant 0 : index
      %get3A_760 = tpu.vector_load %get3A_757[%get3A_758, %get3A_759] {strides = array<i32>} : memref<1x128xi32, #tpu.memory_space<vmem>>, vector<1x16xi32>,
      %get3A_761 = vector.shape_cast %get3A_760 : vector<1x16xi32> to vector<16xi32>
      %add3A_762 = vector.broadcast %mul3A_4 : i32 to vector<16xi32>
      %add3A_763 = arith.addi %get3A_761, %add3A_762 : vector<16xi32>
      %swap3A_764 = arith.constant 2 : i32
      %swap3A_765 = arith.constant 0 : i32
      %swap3A_766 = arith.constant 0 : i32
      %swap3A_767 = arith.constant 0 : i32
      %swap3A_768 = tpu.memref_slice %arg5[%swap3A_764, %swap3A_766, %swap3A_767] : memref<4x1x128xi32, #tpu.memory_space<vmem>> -> memref<1x1x128xi32, #tpu.memory_space<vmem>>
      %swap3A_769 = tpu.memref_squeeze %swap3A_768 : memref<1x1x128xi32, #tpu.memory_space<vmem>> -> memref<1x128xi32, #tpu.memory_space<vmem>>
      %swap3A_770 = arith.index_cast %swap3A_765 : i32 to index
      %swap3A_771 = arith.constant 0 : index
      %swap3A_772 = tpu.vector_load %swap3A_769[%swap3A_770, %swap3A_771] {strides = array<i32>} : memref<1x128xi32, #tpu.memory_space<vmem>>, vector<1x16xi32>,
      %swap3A_773 = vector.shape_cast %swap3A_772 : vector<1x16xi32> to vector<16xi32>
      %swap3A_774 = vector.shape_cast %add3A_763 : vector<16xi32> to vector<1x16xi32>
      tpu.vector_store %swap3A_769[%swap3A_770, %swap3A_771], %swap3A_774 {strides = array<i32>} : memref<1x128xi32, #tpu.memory_space<vmem>>, vector<1x16xi32>,
      %get3A_775 = arith.constant 2 : i32
      %get3A_776 = arith.constant 0 : i32
      %get3A_777 = arith.constant 0 : i32
      %get3A_778 = arith.constant 0 : i32
      %get3A_779 = tpu.memref_slice %arg5[%get3A_775, %get3A_777, %get3A_778] : memref<4x1x128xi32, #tpu.memory_space<vmem>> -> memref<1x1x128xi32, #tpu.memory_space<vmem>>
      %get3A_780 = tpu.memref_squeeze %get3A_779 : memref<1x1x128xi32, #tpu.memory_space<vmem>> -> memref<1x128xi32, #tpu.memory_space<vmem>>
      %get3A_781 = arith.index_cast %get3A_776 : i32 to index
      %get3A_782 = arith.constant 16 : index
      %get3A_783 = tpu.vector_load %get3A_780[%get3A_781, %get3A_782] {strides = array<i32>} : memref<1x128xi32, #tpu.memory_space<vmem>>, vector<1x16xi32>,
      %get3A_784 = vector.shape_cast %get3A_783 : vector<1x16xi32> to vector<16xi32>
      %add3A_785 = vector.broadcast %mul3A_4 : i32 to vector<16xi32>
      %add3A_786 = arith.addi %get3A_784, %add3A_785 : vector<16xi32>
      %swap3A_787 = arith.constant 2 : i32
      %swap3A_788 = arith.constant 0 : i32
      %swap3A_789 = arith.constant 0 : i32
      %swap3A_790 = arith.constant 0 : i32
      %swap3A_791 = tpu.memref_slice %arg5[%swap3A_787, %swap3A_789, %swap3A_790] : memref<4x1x128xi32, #tpu.memory_space<vmem>> -> memref<1x1x128xi32, #tpu.memory_space<vmem>>
      %swap3A_792 = tpu.memref_squeeze %swap3A_791 : memref<1x1x128xi32, #tpu.memory_space<vmem>> -> memref<1x128xi32, #tpu.memory_space<vmem>>
      %swap3A_793 = arith.index_cast %swap3A_788 : i32 to index
      %swap3A_794 = arith.constant 16 : index
      %swap3A_795 = tpu.vector_load %swap3A_792[%swap3A_793, %swap3A_794] {strides = array<i32>} : memref<1x128xi32, #tpu.memory_space<vmem>>, vector<1x16xi32>,
      %swap3A_796 = vector.shape_cast %swap3A_795 : vector<1x16xi32> to vector<16xi32>
      %swap3A_797 = vector.shape_cast %add3A_786 : vector<16xi32> to vector<1x16xi32>
      tpu.vector_store %swap3A_792[%swap3A_793, %swap3A_794], %swap3A_797 {strides = array<i32>} : memref<1x128xi32, #tpu.memory_space<vmem>>, vector<1x16xi32>,
      %get3A_798 = arith.constant 2 : i32
      %get3A_799 = arith.constant 0 : i32
      %get3A_800 = arith.constant 0 : i32
      %get3A_801 = arith.constant 0 : i32
      %get3A_802 = tpu.memref_slice %arg5[%get3A_798, %get3A_800, %get3A_801] : memref<4x1x128xi32, #tpu.memory_space<vmem>> -> memref<1x1x128xi32, #tpu.memory_space<vmem>>
      %get3A_803 = tpu.memref_squeeze %get3A_802 : memref<1x1x128xi32, #tpu.memory_space<vmem>> -> memref<1x128xi32, #tpu.memory_space<vmem>>
      %get3A_804 = arith.index_cast %get3A_799 : i32 to index
      %get3A_805 = arith.constant 32 : index
      %get3A_806 = tpu.vector_load %get3A_803[%get3A_804, %get3A_805] {strides = array<i32>} : memref<1x128xi32, #tpu.memory_space<vmem>>, vector<1x16xi32>,
      %get3A_807 = vector.shape_cast %get3A_806 : vector<1x16xi32> to vector<16xi32>
      %add3A_808 = vector.broadcast %mul3A_4 : i32 to vector<16xi32>
      %add3A_809 = arith.addi %get3A_807, %add3A_808 : vector<16xi32>
      %swap3A_810 = arith.constant 2 : i32
      %swap3A_811 = arith.constant 0 : i32
      %swap3A_812 = arith.constant 0 : i32
      %swap3A_813 = arith.constant 0 : i32
      %swap3A_814 = tpu.memref_slice %arg5[%swap3A_810, %swap3A_812, %swap3A_813] : memref<4x1x128xi32, #tpu.memory_space<vmem>> -> memref<1x1x128xi32, #tpu.memory_space<vmem>>
      %swap3A_815 = tpu.memref_squeeze %swap3A_814 : memref<1x1x128xi32, #tpu.memory_space<vmem>> -> memref<1x128xi32, #tpu.memory_space<vmem>>
      %swap3A_816 = arith.index_cast %swap3A_811 : i32 to index
      %swap3A_817 = arith.constant 32 : index
      %swap3A_818 = tpu.vector_load %swap3A_815[%swap3A_816, %swap3A_817] {strides = array<i32>} : memref<1x128xi32, #tpu.memory_space<vmem>>, vector<1x16xi32>,
      %swap3A_819 = vector.shape_cast %swap3A_818 : vector<1x16xi32> to vector<16xi32>
      %swap3A_820 = vector.shape_cast %add3A_809 : vector<16xi32> to vector<1x16xi32>
      tpu.vector_store %swap3A_815[%swap3A_816, %swap3A_817], %swap3A_820 {strides = array<i32>} : memref<1x128xi32, #tpu.memory_space<vmem>>, vector<1x16xi32>,
      %get3A_821 = arith.constant 2 : i32
      %get3A_822 = arith.constant 0 : i32
      %get3A_823 = arith.constant 0 : i32
      %get3A_824 = arith.constant 0 : i32
      %get3A_825 = tpu.memref_slice %arg5[%get3A_821, %get3A_823, %get3A_824] : memref<4x1x128xi32, #tpu.memory_space<vmem>> -> memref<1x1x128xi32, #tpu.memory_space<vmem>>
      %get3A_826 = tpu.memref_squeeze %get3A_825 : memref<1x1x128xi32, #tpu.memory_space<vmem>> -> memref<1x128xi32, #tpu.memory_space<vmem>>
      %get3A_827 = arith.index_cast %get3A_822 : i32 to index
      %get3A_828 = arith.constant 48 : index
      %get3A_829 = tpu.vector_load %get3A_826[%get3A_827, %get3A_828] {strides = array<i32>} : memref<1x128xi32, #tpu.memory_space<vmem>>, vector<1x16xi32>,
      %get3A_830 = vector.shape_cast %get3A_829 : vector<1x16xi32> to vector<16xi32>
      %add3A_831 = vector.broadcast %mul3A_4 : i32 to vector<16xi32>
      %add3A_832 = arith.addi %get3A_830, %add3A_831 : vector<16xi32>
      %swap3A_833 = arith.constant 2 : i32
      %swap3A_834 = arith.constant 0 : i32
      %swap3A_835 = arith.constant 0 : i32
      %swap3A_836 = arith.constant 0 : i32
      %swap3A_837 = tpu.memref_slice %arg5[%swap3A_833, %swap3A_835, %swap3A_836] : memref<4x1x128xi32, #tpu.memory_space<vmem>> -> memref<1x1x128xi32, #tpu.memory_space<vmem>>
      %swap3A_838 = tpu.memref_squeeze %swap3A_837 : memref<1x1x128xi32, #tpu.memory_space<vmem>> -> memref<1x128xi32, #tpu.memory_space<vmem>>
      %swap3A_839 = arith.index_cast %swap3A_834 : i32 to index
      %swap3A_840 = arith.constant 48 : index
      %swap3A_841 = tpu.vector_load %swap3A_838[%swap3A_839, %swap3A_840] {strides = array<i32>} : memref<1x128xi32, #tpu.memory_space<vmem>>, vector<1x16xi32>,
      %swap3A_842 = vector.shape_cast %swap3A_841 : vector<1x16xi32> to vector<16xi32>
      %swap3A_843 = vector.shape_cast %add3A_832 : vector<16xi32> to vector<1x16xi32>
      tpu.vector_store %swap3A_838[%swap3A_839, %swap3A_840], %swap3A_843 {strides = array<i32>} : memref<1x128xi32, #tpu.memory_space<vmem>>, vector<1x16xi32>,
      %get3A_844 = arith.constant 2 : i32
      %get3A_845 = arith.constant 0 : i32
      %get3A_846 = arith.constant 0 : i32
      %get3A_847 = arith.constant 0 : i32
      %get3A_848 = tpu.memref_slice %arg5[%get3A_844, %get3A_846, %get3A_847] : memref<4x1x128xi32, #tpu.memory_space<vmem>> -> memref<1x1x128xi32, #tpu.memory_space<vmem>>
      %get3A_849 = tpu.memref_squeeze %get3A_848 : memref<1x1x128xi32, #tpu.memory_space<vmem>> -> memref<1x128xi32, #tpu.memory_space<vmem>>
      %get3A_850 = arith.index_cast %get3A_845 : i32 to index
      %get3A_851 = arith.constant 64 : index
      %get3A_852 = tpu.vector_load %get3A_849[%get3A_850, %get3A_851] {strides = array<i32>} : memref<1x128xi32, #tpu.memory_space<vmem>>, vector<1x16xi32>,
      %get3A_853 = vector.shape_cast %get3A_852 : vector<1x16xi32> to vector<16xi32>
      %add3A_854 = vector.broadcast %mul3A_4 : i32 to vector<16xi32>
      %add3A_855 = arith.addi %get3A_853, %add3A_854 : vector<16xi32>
      %swap3A_856 = arith.constant 2 : i32
      %swap3A_857 = arith.constant 0 : i32
      %swap3A_858 = arith.constant 0 : i32
      %swap3A_859 = arith.constant 0 : i32
      %swap3A_860 = tpu.memref_slice %arg5[%swap3A_856, %swap3A_858, %swap3A_859] : memref<4x1x128xi32, #tpu.memory_space<vmem>> -> memref<1x1x128xi32, #tpu.memory_space<vmem>>
      %swap3A_861 = tpu.memref_squeeze %swap3A_860 : memref<1x1x128xi32, #tpu.memory_space<vmem>> -> memref<1x128xi32, #tpu.memory_space<vmem>>
      %swap3A_862 = arith.index_cast %swap3A_857 : i32 to index
      %swap3A_863 = arith.constant 64 : index
      %swap3A_864 = tpu.vector_load %swap3A_861[%swap3A_862, %swap3A_863] {strides = array<i32>} : memref<1x128xi32, #tpu.memory_space<vmem>>, vector<1x16xi32>,
      %swap3A_865 = vector.shape_cast %swap3A_864 : vector<1x16xi32> to vector<16xi32>
      %swap3A_866 = vector.shape_cast %add3A_855 : vector<16xi32> to vector<1x16xi32>
      tpu.vector_store %swap3A_861[%swap3A_862, %swap3A_863], %swap3A_866 {strides = array<i32>} : memref<1x128xi32, #tpu.memory_space<vmem>>, vector<1x16xi32>,
      %get3A_867 = arith.constant 2 : i32
      %get3A_868 = arith.constant 0 : i32
      %get3A_869 = arith.constant 0 : i32
      %get3A_870 = arith.constant 0 : i32
      %get3A_871 = tpu.memref_slice %arg5[%get3A_867, %get3A_869, %get3A_870] : memref<4x1x128xi32, #tpu.memory_space<vmem>> -> memref<1x1x128xi32, #tpu.memory_space<vmem>>
      %get3A_872 = tpu.memref_squeeze %get3A_871 : memref<1x1x128xi32, #tpu.memory_space<vmem>> -> memref<1x128xi32, #tpu.memory_space<vmem>>
      %get3A_873 = arith.index_cast %get3A_868 : i32 to index
      %get3A_874 = arith.constant 80 : index
      %get3A_875 = tpu.vector_load %get3A_872[%get3A_873, %get3A_874] {strides = array<i32>} : memref<1x128xi32, #tpu.memory_space<vmem>>, vector<1x16xi32>,
      %get3A_876 = vector.shape_cast %get3A_875 : vector<1x16xi32> to vector<16xi32>
      %add3A_877 = vector.broadcast %mul3A_4 : i32 to vector<16xi32>
      %add3A_878 = arith.addi %get3A_876, %add3A_877 : vector<16xi32>
      %swap3A_879 = arith.constant 2 : i32
      %swap3A_880 = arith.constant 0 : i32
      %swap3A_881 = arith.constant 0 : i32
      %swap3A_882 = arith.constant 0 : i32
      %swap3A_883 = tpu.memref_slice %arg5[%swap3A_879, %swap3A_881, %swap3A_882] : memref<4x1x128xi32, #tpu.memory_space<vmem>> -> memref<1x1x128xi32, #tpu.memory_space<vmem>>
      %swap3A_884 = tpu.memref_squeeze %swap3A_883 : memref<1x1x128xi32, #tpu.memory_space<vmem>> -> memref<1x128xi32, #tpu.memory_space<vmem>>
      %swap3A_885 = arith.index_cast %swap3A_880 : i32 to index
      %swap3A_886 = arith.constant 80 : index
      %swap3A_887 = tpu.vector_load %swap3A_884[%swap3A_885, %swap3A_886] {strides = array<i32>} : memref<1x128xi32, #tpu.memory_space<vmem>>, vector<1x16xi32>,
      %swap3A_888 = vector.shape_cast %swap3A_887 : vector<1x16xi32> to vector<16xi32>
      %swap3A_889 = vector.shape_cast %add3A_878 : vector<16xi32> to vector<1x16xi32>
      tpu.vector_store %swap3A_884[%swap3A_885, %swap3A_886], %swap3A_889 {strides = array<i32>} : memref<1x128xi32, #tpu.memory_space<vmem>>, vector<1x16xi32>,
      %get3A_890 = arith.constant 2 : i32
      %get3A_891 = arith.constant 0 : i32
      %get3A_892 = arith.constant 0 : i32
      %get3A_893 = arith.constant 0 : i32
      %get3A_894 = tpu.memref_slice %arg5[%get3A_890, %get3A_892, %get3A_893] : memref<4x1x128xi32, #tpu.memory_space<vmem>> -> memref<1x1x128xi32, #tpu.memory_space<vmem>>
      %get3A_895 = tpu.memref_squeeze %get3A_894 : memref<1x1x128xi32, #tpu.memory_space<vmem>> -> memref<1x128xi32, #tpu.memory_space<vmem>>
      %get3A_896 = arith.index_cast %get3A_891 : i32 to index
      %get3A_897 = arith.constant 96 : index
      %get3A_898 = tpu.vector_load %get3A_895[%get3A_896, %get3A_897] {strides = array<i32>} : memref<1x128xi32, #tpu.memory_space<vmem>>, vector<1x16xi32>,
      %get3A_899 = vector.shape_cast %get3A_898 : vector<1x16xi32> to vector<16xi32>
      %add3A_900 = vector.broadcast %mul3A_4 : i32 to vector<16xi32>
      %add3A_901 = arith.addi %get3A_899, %add3A_900 : vector<16xi32>
      %swap3A_902 = arith.constant 2 : i32
      %swap3A_903 = arith.constant 0 : i32
      %swap3A_904 = arith.constant 0 : i32
      %swap3A_905 = arith.constant 0 : i32
      %swap3A_906 = tpu.memref_slice %arg5[%swap3A_902, %swap3A_904, %swap3A_905] : memref<4x1x128xi32, #tpu.memory_space<vmem>> -> memref<1x1x128xi32, #tpu.memory_space<vmem>>
      %swap3A_907 = tpu.memref_squeeze %swap3A_906 : memref<1x1x128xi32, #tpu.memory_space<vmem>> -> memref<1x128xi32, #tpu.memory_space<vmem>>
      %swap3A_908 = arith.index_cast %swap3A_903 : i32 to index
      %swap3A_909 = arith.constant 96 : index
      %swap3A_910 = tpu.vector_load %swap3A_907[%swap3A_908, %swap3A_909] {strides = array<i32>} : memref<1x128xi32, #tpu.memory_space<vmem>>, vector<1x16xi32>,
      %swap3A_911 = vector.shape_cast %swap3A_910 : vector<1x16xi32> to vector<16xi32>
      %swap3A_912 = vector.shape_cast %add3A_901 : vector<16xi32> to vector<1x16xi32>
      tpu.vector_store %swap3A_907[%swap3A_908, %swap3A_909], %swap3A_912 {strides = array<i32>} : memref<1x128xi32, #tpu.memory_space<vmem>>, vector<1x16xi32>,
      %get3A_913 = arith.constant 2 : i32
      %get3A_914 = arith.constant 0 : i32
      %get3A_915 = arith.constant 0 : i32
      %get3A_916 = arith.constant 0 : i32
      %get3A_917 = tpu.memref_slice %arg5[%get3A_913, %get3A_915, %get3A_916] : memref<4x1x128xi32, #tpu.memory_space<vmem>> -> memref<1x1x128xi32, #tpu.memory_space<vmem>>
      %get3A_918 = tpu.memref_squeeze %get3A_917 : memref<1x1x128xi32, #tpu.memory_space<vmem>> -> memref<1x128xi32, #tpu.memory_space<vmem>>
      %get3A_919 = arith.index_cast %get3A_914 : i32 to index
      %get3A_920 = arith.constant 112 : index
      %get3A_921 = tpu.vector_load %get3A_918[%get3A_919, %get3A_920] {strides = array<i32>} : memref<1x128xi32, #tpu.memory_space<vmem>>, vector<1x16xi32>,
      %get3A_922 = vector.shape_cast %get3A_921 : vector<1x16xi32> to vector<16xi32>
      %add3A_923 = vector.broadcast %mul3A_4 : i32 to vector<16xi32>
      %add3A_924 = arith.addi %get3A_922, %add3A_923 : vector<16xi32>
      %swap3A_925 = arith.constant 2 : i32
      %swap3A_926 = arith.constant 0 : i32
      %swap3A_927 = arith.constant 0 : i32
      %swap3A_928 = arith.constant 0 : i32
      %swap3A_929 = tpu.memref_slice %arg5[%swap3A_925, %swap3A_927, %swap3A_928] : memref<4x1x128xi32, #tpu.memory_space<vmem>> -> memref<1x1x128xi32, #tpu.memory_space<vmem>>
      %swap3A_930 = tpu.memref_squeeze %swap3A_929 : memref<1x1x128xi32, #tpu.memory_space<vmem>> -> memref<1x128xi32, #tpu.memory_space<vmem>>
      %swap3A_931 = arith.index_cast %swap3A_926 : i32 to index
      %swap3A_932 = arith.constant 112 : index
      %swap3A_933 = tpu.vector_load %swap3A_930[%swap3A_931, %swap3A_932] {strides = array<i32>} : memref<1x128xi32, #tpu.memory_space<vmem>>, vector<1x16xi32>,
      %swap3A_934 = vector.shape_cast %swap3A_933 : vector<1x16xi32> to vector<16xi32>
      %swap3A_935 = vector.shape_cast %add3A_924 : vector<16xi32> to vector<1x16xi32>
      tpu.vector_store %swap3A_930[%swap3A_931, %swap3A_932], %swap3A_935 {strides = array<i32>} : memref<1x128xi32, #tpu.memory_space<vmem>>, vector<1x16xi32>,
      %dma_start3A_936 = arith.constant 2 : i32
      %dma_start3A_937 = arith.constant 0 : i32
      %dma_start3A_938 = arith.constant 2 : i32
      %dma_start3A_939 = arith.constant 2 : i32
      %dma_start3A_940 = arith.constant 0 : i32
      %dma_start3A_941 = arith.constant 0 : i32
      %dma_start3A_942 = tpu.memref_slice %arg6[%dma_start3A_938, %dma_start3A_940, %dma_start3A_941] : memref<4x128x128xf32, #tpu.memory_space<vmem>> -> memref<1x128x128xf32, #tpu.memory_space<vmem>>
      %dma_start3A_943 = tpu.memref_squeeze %dma_start3A_942 : memref<1x128x128xf32, #tpu.memory_space<vmem>> -> memref<128x128xf32, #tpu.memory_space<vmem>>
      %dma_start3A_944 = arith.constant 0 : i32
      %dma_start3A_945 = arith.constant 0 : i32
      %dma_start3A_946 = tpu.memref_slice %arg5[%dma_start3A_936, %dma_start3A_944, %dma_start3A_945] : memref<4x1x128xi32, #tpu.memory_space<vmem>> -> memref<1x1x128xi32, #tpu.memory_space<vmem>>
      %dma_start3A_947 = tpu.memref_squeeze %dma_start3A_946 : memref<1x1x128xi32, #tpu.memory_space<vmem>> -> memref<1x128xi32, #tpu.memory_space<vmem>>
      %dma_start3A_948 = arith.constant 0 : i32
      %dma_start3A_949 = tpu.memref_slice %dma_start3A_947[%dma_start3A_937, %dma_start3A_948] : memref<1x128xi32, #tpu.memory_space<vmem>> -> memref<1x128xi32, #tpu.memory_space<vmem>>
      %dma_start3A_950 = tpu.memref_squeeze %dma_start3A_949 : memref<1x128xi32, #tpu.memory_space<vmem>> -> memref<128xi32, #tpu.memory_space<vmem>>
      %dma_start3A_951 = arith.constant 0 : i32
      %dma_start3A_952 = arith.constant 0 : i32
      %dma_start3A_953 = tpu.memref_slice %arg7[%dma_start3A_951, %dma_start3A_952] : memref<4096x128xf32, #tpu.memory_space<vmem_shared>> -> memref<4096x128xf32, #tpu.memory_space<vmem_shared>>
      %dma_start3A_954 = tpu.memref_slice %arg9[%dma_start3A_939] : memref<4x!tpu.dma_semaphore, #tpu.memory_space<semaphore_mem>> -> memref<1x!tpu.dma_semaphore, #tpu.memory_space<semaphore_mem>>
      %dma_start3A_955 = tpu.memref_squeeze %dma_start3A_954 : memref<1x!tpu.dma_semaphore, #tpu.memory_space<semaphore_mem>> -> memref<!tpu.dma_semaphore, #tpu.memory_space<semaphore_mem>>
      tpu.enqueue_indirect_dma source(%dma_start3A_953 : memref<4096x128xf32, #tpu.memory_space<vmem_shared>>) target(%dma_start3A_943 : memref<128x128xf32, #tpu.memory_space<vmem>>) offsets(%dma_start3A_950 : memref<128xi32, #tpu.memory_space<vmem>>) semaphore(%dma_start3A_955 : memref<!tpu.dma_semaphore, #tpu.memory_space<semaphore_mem>>)
      %sub3A = arith.constant 2 : i32
      %sub3A_956 = arith.subi %add3A_725, %sub3A : i32
      %dma_wait3A_957 = arith.constant 0 : i32
      %dma_wait3A_958 = arith.constant 0 : i32
      %dma_wait3A_959 = arith.constant 0 : i32
      %dma_wait3A_960 = arith.constant 0 : i32
      %dma_wait3A_961 = tpu.memref_slice %arg6[%dma_wait3A_957, %dma_wait3A_959, %dma_wait3A_960] : memref<4x128x128xf32, #tpu.memory_space<vmem>> -> memref<1x128x128xf32, #tpu.memory_space<vmem>>
      %dma_wait3A_962 = tpu.memref_squeeze %dma_wait3A_961 : memref<1x128x128xf32, #tpu.memory_space<vmem>> -> memref<128x128xf32, #tpu.memory_space<vmem>>
      %dma_wait3A_963 = arith.constant 0 : i32
      %dma_wait3A_964 = arith.constant 0 : i32
      %dma_wait3A_965 = tpu.memref_slice %arg4[%dma_wait3A_963, %dma_wait3A_964] : memref<3276800x128xf32, #tpu.memory_space<hbm>> -> memref<128x128xf32, #tpu.memory_space<hbm>>
      %dma_wait3A_966 = tpu.memref_slice %arg9[%dma_wait3A_958] : memref<4x!tpu.dma_semaphore, #tpu.memory_space<semaphore_mem>> -> memref<1x!tpu.dma_semaphore, #tpu.memory_space<semaphore_mem>>
      %dma_wait3A_967 = tpu.memref_squeeze %dma_wait3A_966 : memref<1x!tpu.dma_semaphore, #tpu.memory_space<semaphore_mem>> -> memref<!tpu.dma_semaphore, #tpu.memory_space<semaphore_mem>>
      %dma_wait3A_968 = arith.constant 0 : i32
      %dma_wait3A_969 = arith.constant 0 : i32
      %dma_wait3A_970 = tpu.memref_slice %arg6[%dma_wait3A_957, %dma_wait3A_968, %dma_wait3A_969] : memref<4x128x128xf32, #tpu.memory_space<vmem>> -> memref<1x128x128xf32, #tpu.memory_space<vmem>>
      %dma_wait3A_971 = tpu.memref_squeeze %dma_wait3A_970 : memref<1x128x128xf32, #tpu.memory_space<vmem>> -> memref<128x128xf32, #tpu.memory_space<vmem>>
      %dma_wait3A_972 = arith.constant 0 : i32
      %dma_wait3A_973 = arith.constant 0 : i32
      %dma_wait3A_974 = tpu.memref_slice %arg4[%dma_wait3A_972, %dma_wait3A_973] : memref<3276800x128xf32, #tpu.memory_space<hbm>> -> memref<128x128xf32, #tpu.memory_space<hbm>>
      tpu.wait_dma2 semaphore(%dma_wait3A_967 : memref<!tpu.dma_semaphore, #tpu.memory_space<semaphore_mem>>) src(%dma_wait3A_974 : memref<128x128xf32, #tpu.memory_space<hbm>>) dst(%dma_wait3A_971 : memref<128x128xf32, #tpu.memory_space<vmem>>)
      %add3A_975 = arith.addi %mul3A_2, %sub3A_956 : i32
      %mul3A_976 = arith.constant 128 : i32
      %mul3A_977 = arith.muli %add3A_975, %mul3A_976 : i32
      %dma_start3A_978 = arith.constant 0 : i32
      %dma_start3A_979 = arith.constant 0 : i32
      %dma_start3A_980 = arith.constant 0 : i32
      %dma_start3A_981 = arith.constant 0 : i32
      %dma_start3A_982 = tpu.memref_slice %arg6[%dma_start3A_978, %dma_start3A_980, %dma_start3A_981] : memref<4x128x128xf32, #tpu.memory_space<vmem>> -> memref<1x128x128xf32, #tpu.memory_space<vmem>>
      %dma_start3A_983 = tpu.memref_squeeze %dma_start3A_982 : memref<1x128x128xf32, #tpu.memory_space<vmem>> -> memref<128x128xf32, #tpu.memory_space<vmem>>
      %dma_start3A_984 = arith.constant 0 : i32
      %dma_start3A_985 = tpu.memref_slice %arg4[%mul3A_977, %dma_start3A_984] : memref<3276800x128xf32, #tpu.memory_space<hbm>> -> memref<128x128xf32, #tpu.memory_space<hbm>>
      %dma_start3A_986 = tpu.memref_slice %arg10[%dma_start3A_979] : memref<4x!tpu.dma_semaphore, #tpu.memory_space<semaphore_mem>> -> memref<1x!tpu.dma_semaphore, #tpu.memory_space<semaphore_mem>>
      %dma_start3A_987 = tpu.memref_squeeze %dma_start3A_986 : memref<1x!tpu.dma_semaphore, #tpu.memory_space<semaphore_mem>> -> memref<!tpu.dma_semaphore, #tpu.memory_space<semaphore_mem>>
      %dma_start3A_988 = arith.constant 0 : i32
      %dma_start3A_989 = tpu.memref_slice %arg4[%mul3A_977, %dma_start3A_988] : memref<3276800x128xf32, #tpu.memory_space<hbm>> -> memref<128x128xf32, #tpu.memory_space<hbm>>
      %dma_start3A_990 = arith.constant 0 : i32
      %dma_start3A_991 = arith.constant 0 : i32
      %dma_start3A_992 = tpu.memref_slice %arg6[%dma_start3A_978, %dma_start3A_990, %dma_start3A_991] : memref<4x128x128xf32, #tpu.memory_space<vmem>> -> memref<1x128x128xf32, #tpu.memory_space<vmem>>
      %dma_start3A_993 = tpu.memref_squeeze %dma_start3A_992 : memref<1x128x128xf32, #tpu.memory_space<vmem>> -> memref<128x128xf32, #tpu.memory_space<vmem>>
      tpu.enqueue_dma source(%dma_start3A_993 : memref<128x128xf32, #tpu.memory_space<vmem>>) target(%dma_start3A_989 : memref<128x128xf32, #tpu.memory_space<hbm>>) target_semaphore(%dma_start3A_987 : memref<!tpu.dma_semaphore, #tpu.memory_space<semaphore_mem>>)
      %lt3A = arith.constant 199 : i32
      %lt3A_994 = arith.cmpi slt, %scan3A_246, %lt3A : i32
      %convert_element_type3A_995 = arith.extui %lt3A_994 : i1 to i32
      %cond3A_996 = arith.constant 0 : i32
      %cond3A_997 = arith.cmpi ne, %convert_element_type3A_995, %cond3A_996 : i32
      scf.if %cond3A_997 {
        %add3A_1276 = arith.constant 2 : i32
        %add3A_1277 = arith.addi %add3A_725, %add3A_1276 : i32
        %add3A_1278 = arith.addi %mul3A_2, %add3A_1277 : i32
        %dma_start3A_1279 = arith.constant 0 : i32
        %dma_start3A_1280 = arith.constant 0 : i32
        %dma_start3A_1281 = arith.constant 0 : i32
        %dma_start3A_1282 = arith.constant 0 : i32
        %dma_start3A_1283 = tpu.memref_slice %arg5[%dma_start3A_1279, %dma_start3A_1281, %dma_start3A_1282] : memref<4x1x128xi32, #tpu.memory_space<vmem>> -> memref<1x1x128xi32, #tpu.memory_space<vmem>>
        %dma_start3A_1284 = tpu.memref_squeeze %dma_start3A_1283 : memref<1x1x128xi32, #tpu.memory_space<vmem>> -> memref<1x128xi32, #tpu.memory_space<vmem>>
        %dma_start3A_1285 = arith.constant 0 : i32
        %dma_start3A_1286 = arith.constant 0 : i32
        %dma_start3A_1287 = tpu.memref_slice %arg2[%add3A_1278, %dma_start3A_1285, %dma_start3A_1286] : memref<25600x1x128xi32, #tpu.memory_space<hbm>> -> memref<1x1x128xi32, #tpu.memory_space<hbm>>
        %dma_start3A_1288 = tpu.memref_squeeze %dma_start3A_1287 : memref<1x1x128xi32, #tpu.memory_space<hbm>> -> memref<1x128xi32, #tpu.memory_space<hbm>>
        %dma_start3A_1289 = tpu.memref_slice %arg8[%dma_start3A_1280] : memref<4x!tpu.dma_semaphore, #tpu.memory_space<semaphore_mem>> -> memref<1x!tpu.dma_semaphore, #tpu.memory_space<semaphore_mem>>
        %dma_start3A_1290 = tpu.memref_squeeze %dma_start3A_1289 : memref<1x!tpu.dma_semaphore, #tpu.memory_space<semaphore_mem>> -> memref<!tpu.dma_semaphore, #tpu.memory_space<semaphore_mem>>
        %dma_start3A_1291 = arith.constant 0 : i32
        %dma_start3A_1292 = arith.constant 0 : i32
        %dma_start3A_1293 = tpu.memref_slice %arg5[%dma_start3A_1279, %dma_start3A_1291, %dma_start3A_1292] : memref<4x1x128xi32, #tpu.memory_space<vmem>> -> memref<1x1x128xi32, #tpu.memory_space<vmem>>
        %dma_start3A_1294 = tpu.memref_squeeze %dma_start3A_1293 : memref<1x1x128xi32, #tpu.memory_space<vmem>> -> memref<1x128xi32, #tpu.memory_space<vmem>>
        %dma_start3A_1295 = arith.constant 0 : i32
        %dma_start3A_1296 = arith.constant 0 : i32
        %dma_start3A_1297 = tpu.memref_slice %arg2[%add3A_1278, %dma_start3A_1295, %dma_start3A_1296] : memref<25600x1x128xi32, #tpu.memory_space<hbm>> -> memref<1x1x128xi32, #tpu.memory_space<hbm>>
        %dma_start3A_1298 = tpu.memref_squeeze %dma_start3A_1297 : memref<1x1x128xi32, #tpu.memory_space<hbm>> -> memref<1x128xi32, #tpu.memory_space<hbm>>
        tpu.enqueue_dma source(%dma_start3A_1298 : memref<1x128xi32, #tpu.memory_space<hbm>>) target(%dma_start3A_1294 : memref<1x128xi32, #tpu.memory_space<vmem>>) target_semaphore(%dma_start3A_1290 : memref<!tpu.dma_semaphore, #tpu.memory_space<semaphore_mem>>)
      } else {
      }
      %mul3A_998 = arith.constant 4 : i32
      %mul3A_999 = arith.muli %scan3A_246, %mul3A_998 : i32
      %add3A_1000 = arith.constant 3 : i32
      %add3A_1001 = arith.addi %mul3A_999, %add3A_1000 : i32
      %dma_wait3A_1002 = arith.constant 0 : i32
      %dma_wait3A_1003 = arith.constant 3 : i32
      %dma_wait3A_1004 = arith.constant 3 : i32
      %dma_wait3A_1005 = arith.constant 0 : i32
      %dma_wait3A_1006 = arith.constant 0 : i32
      %dma_wait3A_1007 = tpu.memref_slice %arg5[%dma_wait3A_1003, %dma_wait3A_1005, %dma_wait3A_1006] : memref<4x1x128xi32, #tpu.memory_space<vmem>> -> memref<1x1x128xi32, #tpu.memory_space<vmem>>
      %dma_wait3A_1008 = tpu.memref_squeeze %dma_wait3A_1007 : memref<1x1x128xi32, #tpu.memory_space<vmem>> -> memref<1x128xi32, #tpu.memory_space<vmem>>
      %dma_wait3A_1009 = arith.constant 0 : i32
      %dma_wait3A_1010 = arith.constant 0 : i32
      %dma_wait3A_1011 = tpu.memref_slice %arg2[%dma_wait3A_1002, %dma_wait3A_1009, %dma_wait3A_1010] : memref<25600x1x128xi32, #tpu.memory_space<hbm>> -> memref<1x1x128xi32, #tpu.memory_space<hbm>>
      %dma_wait3A_1012 = tpu.memref_squeeze %dma_wait3A_1011 : memref<1x1x128xi32, #tpu.memory_space<hbm>> -> memref<1x128xi32, #tpu.memory_space<hbm>>
      %dma_wait3A_1013 = tpu.memref_slice %arg8[%dma_wait3A_1004] : memref<4x!tpu.dma_semaphore, #tpu.memory_space<semaphore_mem>> -> memref<1x!tpu.dma_semaphore, #tpu.memory_space<semaphore_mem>>
      %dma_wait3A_1014 = tpu.memref_squeeze %dma_wait3A_1013 : memref<1x!tpu.dma_semaphore, #tpu.memory_space<semaphore_mem>> -> memref<!tpu.dma_semaphore, #tpu.memory_space<semaphore_mem>>
      %dma_wait3A_1015 = arith.constant 0 : i32
      %dma_wait3A_1016 = arith.constant 0 : i32
      %dma_wait3A_1017 = tpu.memref_slice %arg5[%dma_wait3A_1003, %dma_wait3A_1015, %dma_wait3A_1016] : memref<4x1x128xi32, #tpu.memory_space<vmem>> -> memref<1x1x128xi32, #tpu.memory_space<vmem>>
      %dma_wait3A_1018 = tpu.memref_squeeze %dma_wait3A_1017 : memref<1x1x128xi32, #tpu.memory_space<vmem>> -> memref<1x128xi32, #tpu.memory_space<vmem>>
      %dma_wait3A_1019 = arith.constant 0 : i32
      %dma_wait3A_1020 = arith.constant 0 : i32
      %dma_wait3A_1021 = tpu.memref_slice %arg2[%dma_wait3A_1002, %dma_wait3A_1019, %dma_wait3A_1020] : memref<25600x1x128xi32, #tpu.memory_space<hbm>> -> memref<1x1x128xi32, #tpu.memory_space<hbm>>
      %dma_wait3A_1022 = tpu.memref_squeeze %dma_wait3A_1021 : memref<1x1x128xi32, #tpu.memory_space<hbm>> -> memref<1x128xi32, #tpu.memory_space<hbm>>
      tpu.wait_dma2 semaphore(%dma_wait3A_1014 : memref<!tpu.dma_semaphore, #tpu.memory_space<semaphore_mem>>) src(%dma_wait3A_1022 : memref<1x128xi32, #tpu.memory_space<hbm>>) dst(%dma_wait3A_1018 : memref<1x128xi32, #tpu.memory_space<vmem>>)
      %gt3A_1023 = arith.constant 0 : i32
      %gt3A_1024 = arith.cmpi sgt, %scan3A_246, %gt3A_1023 : i32
      %convert_element_type3A_1025 = arith.extui %gt3A_1024 : i1 to i32
      %cond3A_1026 = arith.constant 0 : i32
      %cond3A_1027 = arith.cmpi ne, %convert_element_type3A_1025, %cond3A_1026 : i32
      scf.if %cond3A_1027 {
        %dma_wait3A_1276 = arith.constant 3 : i32
        %dma_wait3A_1277 = arith.constant 3 : i32
        %dma_wait3A_1278 = arith.constant 0 : i32
        %dma_wait3A_1279 = arith.constant 0 : i32
        %dma_wait3A_1280 = tpu.memref_slice %arg6[%dma_wait3A_1276, %dma_wait3A_1278, %dma_wait3A_1279] : memref<4x128x128xf32, #tpu.memory_space<vmem>> -> memref<1x128x128xf32, #tpu.memory_space<vmem>>
        %dma_wait3A_1281 = tpu.memref_squeeze %dma_wait3A_1280 : memref<1x128x128xf32, #tpu.memory_space<vmem>> -> memref<128x128xf32, #tpu.memory_space<vmem>>
        %dma_wait3A_1282 = arith.constant 0 : i32
        %dma_wait3A_1283 = arith.constant 0 : i32
        %dma_wait3A_1284 = tpu.memref_slice %arg4[%dma_wait3A_1282, %dma_wait3A_1283] : memref<3276800x128xf32, #tpu.memory_space<hbm>> -> memref<128x128xf32, #tpu.memory_space<hbm>>
        %dma_wait3A_1285 = tpu.memref_slice %arg10[%dma_wait3A_1277] : memref<4x!tpu.dma_semaphore, #tpu.memory_space<semaphore_mem>> -> memref<1x!tpu.dma_semaphore, #tpu.memory_space<semaphore_mem>>
        %dma_wait3A_1286 = tpu.memref_squeeze %dma_wait3A_1285 : memref<1x!tpu.dma_semaphore, #tpu.memory_space<semaphore_mem>> -> memref<!tpu.dma_semaphore, #tpu.memory_space<semaphore_mem>>
        %dma_wait3A_1287 = arith.constant 0 : i32
        %dma_wait3A_1288 = arith.constant 0 : i32
        %dma_wait3A_1289 = tpu.memref_slice %arg4[%dma_wait3A_1287, %dma_wait3A_1288] : memref<3276800x128xf32, #tpu.memory_space<hbm>> -> memref<128x128xf32, #tpu.memory_space<hbm>>
        %dma_wait3A_1290 = arith.constant 0 : i32
        %dma_wait3A_1291 = arith.constant 0 : i32
        %dma_wait3A_1292 = tpu.memref_slice %arg6[%dma_wait3A_1276, %dma_wait3A_1290, %dma_wait3A_1291] : memref<4x128x128xf32, #tpu.memory_space<vmem>> -> memref<1x128x128xf32, #tpu.memory_space<vmem>>
        %dma_wait3A_1293 = tpu.memref_squeeze %dma_wait3A_1292 : memref<1x128x128xf32, #tpu.memory_space<vmem>> -> memref<128x128xf32, #tpu.memory_space<vmem>>
        tpu.wait_dma2 semaphore(%dma_wait3A_1286 : memref<!tpu.dma_semaphore, #tpu.memory_space<semaphore_mem>>) src(%dma_wait3A_1293 : memref<128x128xf32, #tpu.memory_space<vmem>>) dst(%dma_wait3A_1289 : memref<128x128xf32, #tpu.memory_space<hbm>>)
      } else {
      }
      %get3A_1028 = arith.constant 3 : i32
      %get3A_1029 = arith.constant 0 : i32
      %get3A_1030 = arith.constant 0 : i32
      %get3A_1031 = arith.constant 0 : i32
      %get3A_1032 = tpu.memref_slice %arg5[%get3A_1028, %get3A_1030, %get3A_1031] : memref<4x1x128xi32, #tpu.memory_space<vmem>> -> memref<1x1x128xi32, #tpu.memory_space<vmem>>
      %get3A_1033 = tpu.memref_squeeze %get3A_1032 : memref<1x1x128xi32, #tpu.memory_space<vmem>> -> memref<1x128xi32, #tpu.memory_space<vmem>>
      %get3A_1034 = arith.index_cast %get3A_1029 : i32 to index
      %get3A_1035 = arith.constant 0 : index
      %get3A_1036 = tpu.vector_load %get3A_1033[%get3A_1034, %get3A_1035] {strides = array<i32>} : memref<1x128xi32, #tpu.memory_space<vmem>>, vector<1x16xi32>,
      %get3A_1037 = vector.shape_cast %get3A_1036 : vector<1x16xi32> to vector<16xi32>
      %add3A_1038 = vector.broadcast %mul3A_4 : i32 to vector<16xi32>
      %add3A_1039 = arith.addi %get3A_1037, %add3A_1038 : vector<16xi32>
      %swap3A_1040 = arith.constant 3 : i32
      %swap3A_1041 = arith.constant 0 : i32
      %swap3A_1042 = arith.constant 0 : i32
      %swap3A_1043 = arith.constant 0 : i32
      %swap3A_1044 = tpu.memref_slice %arg5[%swap3A_1040, %swap3A_1042, %swap3A_1043] : memref<4x1x128xi32, #tpu.memory_space<vmem>> -> memref<1x1x128xi32, #tpu.memory_space<vmem>>
      %swap3A_1045 = tpu.memref_squeeze %swap3A_1044 : memref<1x1x128xi32, #tpu.memory_space<vmem>> -> memref<1x128xi32, #tpu.memory_space<vmem>>
      %swap3A_1046 = arith.index_cast %swap3A_1041 : i32 to index
      %swap3A_1047 = arith.constant 0 : index
      %swap3A_1048 = tpu.vector_load %swap3A_1045[%swap3A_1046, %swap3A_1047] {strides = array<i32>} : memref<1x128xi32, #tpu.memory_space<vmem>>, vector<1x16xi32>,
      %swap3A_1049 = vector.shape_cast %swap3A_1048 : vector<1x16xi32> to vector<16xi32>
      %swap3A_1050 = vector.shape_cast %add3A_1039 : vector<16xi32> to vector<1x16xi32>
      tpu.vector_store %swap3A_1045[%swap3A_1046, %swap3A_1047], %swap3A_1050 {strides = array<i32>} : memref<1x128xi32, #tpu.memory_space<vmem>>, vector<1x16xi32>,
      %get3A_1051 = arith.constant 3 : i32
      %get3A_1052 = arith.constant 0 : i32
      %get3A_1053 = arith.constant 0 : i32
      %get3A_1054 = arith.constant 0 : i32
      %get3A_1055 = tpu.memref_slice %arg5[%get3A_1051, %get3A_1053, %get3A_1054] : memref<4x1x128xi32, #tpu.memory_space<vmem>> -> memref<1x1x128xi32, #tpu.memory_space<vmem>>
      %get3A_1056 = tpu.memref_squeeze %get3A_1055 : memref<1x1x128xi32, #tpu.memory_space<vmem>> -> memref<1x128xi32, #tpu.memory_space<vmem>>
      %get3A_1057 = arith.index_cast %get3A_1052 : i32 to index
      %get3A_1058 = arith.constant 16 : index
      %get3A_1059 = tpu.vector_load %get3A_1056[%get3A_1057, %get3A_1058] {strides = array<i32>} : memref<1x128xi32, #tpu.memory_space<vmem>>, vector<1x16xi32>,
      %get3A_1060 = vector.shape_cast %get3A_1059 : vector<1x16xi32> to vector<16xi32>
      %add3A_1061 = vector.broadcast %mul3A_4 : i32 to vector<16xi32>
      %add3A_1062 = arith.addi %get3A_1060, %add3A_1061 : vector<16xi32>
      %swap3A_1063 = arith.constant 3 : i32
      %swap3A_1064 = arith.constant 0 : i32
      %swap3A_1065 = arith.constant 0 : i32
      %swap3A_1066 = arith.constant 0 : i32
      %swap3A_1067 = tpu.memref_slice %arg5[%swap3A_1063, %swap3A_1065, %swap3A_1066] : memref<4x1x128xi32, #tpu.memory_space<vmem>> -> memref<1x1x128xi32, #tpu.memory_space<vmem>>
      %swap3A_1068 = tpu.memref_squeeze %swap3A_1067 : memref<1x1x128xi32, #tpu.memory_space<vmem>> -> memref<1x128xi32, #tpu.memory_space<vmem>>
      %swap3A_1069 = arith.index_cast %swap3A_1064 : i32 to index
      %swap3A_1070 = arith.constant 16 : index
      %swap3A_1071 = tpu.vector_load %swap3A_1068[%swap3A_1069, %swap3A_1070] {strides = array<i32>} : memref<1x128xi32, #tpu.memory_space<vmem>>, vector<1x16xi32>,
      %swap3A_1072 = vector.shape_cast %swap3A_1071 : vector<1x16xi32> to vector<16xi32>
      %swap3A_1073 = vector.shape_cast %add3A_1062 : vector<16xi32> to vector<1x16xi32>
      tpu.vector_store %swap3A_1068[%swap3A_1069, %swap3A_1070], %swap3A_1073 {strides = array<i32>} : memref<1x128xi32, #tpu.memory_space<vmem>>, vector<1x16xi32>,
      %get3A_1074 = arith.constant 3 : i32
      %get3A_1075 = arith.constant 0 : i32
      %get3A_1076 = arith.constant 0 : i32
      %get3A_1077 = arith.constant 0 : i32
      %get3A_1078 = tpu.memref_slice %arg5[%get3A_1074, %get3A_1076, %get3A_1077] : memref<4x1x128xi32, #tpu.memory_space<vmem>> -> memref<1x1x128xi32, #tpu.memory_space<vmem>>
      %get3A_1079 = tpu.memref_squeeze %get3A_1078 : memref<1x1x128xi32, #tpu.memory_space<vmem>> -> memref<1x128xi32, #tpu.memory_space<vmem>>
      %get3A_1080 = arith.index_cast %get3A_1075 : i32 to index
      %get3A_1081 = arith.constant 32 : index
      %get3A_1082 = tpu.vector_load %get3A_1079[%get3A_1080, %get3A_1081] {strides = array<i32>} : memref<1x128xi32, #tpu.memory_space<vmem>>, vector<1x16xi32>,
      %get3A_1083 = vector.shape_cast %get3A_1082 : vector<1x16xi32> to vector<16xi32>
      %add3A_1084 = vector.broadcast %mul3A_4 : i32 to vector<16xi32>
      %add3A_1085 = arith.addi %get3A_1083, %add3A_1084 : vector<16xi32>
      %swap3A_1086 = arith.constant 3 : i32
      %swap3A_1087 = arith.constant 0 : i32
      %swap3A_1088 = arith.constant 0 : i32
      %swap3A_1089 = arith.constant 0 : i32
      %swap3A_1090 = tpu.memref_slice %arg5[%swap3A_1086, %swap3A_1088, %swap3A_1089] : memref<4x1x128xi32, #tpu.memory_space<vmem>> -> memref<1x1x128xi32, #tpu.memory_space<vmem>>
      %swap3A_1091 = tpu.memref_squeeze %swap3A_1090 : memref<1x1x128xi32, #tpu.memory_space<vmem>> -> memref<1x128xi32, #tpu.memory_space<vmem>>
      %swap3A_1092 = arith.index_cast %swap3A_1087 : i32 to index
      %swap3A_1093 = arith.constant 32 : index
      %swap3A_1094 = tpu.vector_load %swap3A_1091[%swap3A_1092, %swap3A_1093] {strides = array<i32>} : memref<1x128xi32, #tpu.memory_space<vmem>>, vector<1x16xi32>,
      %swap3A_1095 = vector.shape_cast %swap3A_1094 : vector<1x16xi32> to vector<16xi32>
      %swap3A_1096 = vector.shape_cast %add3A_1085 : vector<16xi32> to vector<1x16xi32>
      tpu.vector_store %swap3A_1091[%swap3A_1092, %swap3A_1093], %swap3A_1096 {strides = array<i32>} : memref<1x128xi32, #tpu.memory_space<vmem>>, vector<1x16xi32>,
      %get3A_1097 = arith.constant 3 : i32
      %get3A_1098 = arith.constant 0 : i32
      %get3A_1099 = arith.constant 0 : i32
      %get3A_1100 = arith.constant 0 : i32
      %get3A_1101 = tpu.memref_slice %arg5[%get3A_1097, %get3A_1099, %get3A_1100] : memref<4x1x128xi32, #tpu.memory_space<vmem>> -> memref<1x1x128xi32, #tpu.memory_space<vmem>>
      %get3A_1102 = tpu.memref_squeeze %get3A_1101 : memref<1x1x128xi32, #tpu.memory_space<vmem>> -> memref<1x128xi32, #tpu.memory_space<vmem>>
      %get3A_1103 = arith.index_cast %get3A_1098 : i32 to index
      %get3A_1104 = arith.constant 48 : index
      %get3A_1105 = tpu.vector_load %get3A_1102[%get3A_1103, %get3A_1104] {strides = array<i32>} : memref<1x128xi32, #tpu.memory_space<vmem>>, vector<1x16xi32>,
      %get3A_1106 = vector.shape_cast %get3A_1105 : vector<1x16xi32> to vector<16xi32>
      %add3A_1107 = vector.broadcast %mul3A_4 : i32 to vector<16xi32>
      %add3A_1108 = arith.addi %get3A_1106, %add3A_1107 : vector<16xi32>
      %swap3A_1109 = arith.constant 3 : i32
      %swap3A_1110 = arith.constant 0 : i32
      %swap3A_1111 = arith.constant 0 : i32
      %swap3A_1112 = arith.constant 0 : i32
      %swap3A_1113 = tpu.memref_slice %arg5[%swap3A_1109, %swap3A_1111, %swap3A_1112] : memref<4x1x128xi32, #tpu.memory_space<vmem>> -> memref<1x1x128xi32, #tpu.memory_space<vmem>>
      %swap3A_1114 = tpu.memref_squeeze %swap3A_1113 : memref<1x1x128xi32, #tpu.memory_space<vmem>> -> memref<1x128xi32, #tpu.memory_space<vmem>>
      %swap3A_1115 = arith.index_cast %swap3A_1110 : i32 to index
      %swap3A_1116 = arith.constant 48 : index
      %swap3A_1117 = tpu.vector_load %swap3A_1114[%swap3A_1115, %swap3A_1116] {strides = array<i32>} : memref<1x128xi32, #tpu.memory_space<vmem>>, vector<1x16xi32>,
      %swap3A_1118 = vector.shape_cast %swap3A_1117 : vector<1x16xi32> to vector<16xi32>
      %swap3A_1119 = vector.shape_cast %add3A_1108 : vector<16xi32> to vector<1x16xi32>
      tpu.vector_store %swap3A_1114[%swap3A_1115, %swap3A_1116], %swap3A_1119 {strides = array<i32>} : memref<1x128xi32, #tpu.memory_space<vmem>>, vector<1x16xi32>,
      %get3A_1120 = arith.constant 3 : i32
      %get3A_1121 = arith.constant 0 : i32
      %get3A_1122 = arith.constant 0 : i32
      %get3A_1123 = arith.constant 0 : i32
      %get3A_1124 = tpu.memref_slice %arg5[%get3A_1120, %get3A_1122, %get3A_1123] : memref<4x1x128xi32, #tpu.memory_space<vmem>> -> memref<1x1x128xi32, #tpu.memory_space<vmem>>
      %get3A_1125 = tpu.memref_squeeze %get3A_1124 : memref<1x1x128xi32, #tpu.memory_space<vmem>> -> memref<1x128xi32, #tpu.memory_space<vmem>>
      %get3A_1126 = arith.index_cast %get3A_1121 : i32 to index
      %get3A_1127 = arith.constant 64 : index
      %get3A_1128 = tpu.vector_load %get3A_1125[%get3A_1126, %get3A_1127] {strides = array<i32>} : memref<1x128xi32, #tpu.memory_space<vmem>>, vector<1x16xi32>,
      %get3A_1129 = vector.shape_cast %get3A_1128 : vector<1x16xi32> to vector<16xi32>
      %add3A_1130 = vector.broadcast %mul3A_4 : i32 to vector<16xi32>
      %add3A_1131 = arith.addi %get3A_1129, %add3A_1130 : vector<16xi32>
      %swap3A_1132 = arith.constant 3 : i32
      %swap3A_1133 = arith.constant 0 : i32
      %swap3A_1134 = arith.constant 0 : i32
      %swap3A_1135 = arith.constant 0 : i32
      %swap3A_1136 = tpu.memref_slice %arg5[%swap3A_1132, %swap3A_1134, %swap3A_1135] : memref<4x1x128xi32, #tpu.memory_space<vmem>> -> memref<1x1x128xi32, #tpu.memory_space<vmem>>
      %swap3A_1137 = tpu.memref_squeeze %swap3A_1136 : memref<1x1x128xi32, #tpu.memory_space<vmem>> -> memref<1x128xi32, #tpu.memory_space<vmem>>
      %swap3A_1138 = arith.index_cast %swap3A_1133 : i32 to index
      %swap3A_1139 = arith.constant 64 : index
      %swap3A_1140 = tpu.vector_load %swap3A_1137[%swap3A_1138, %swap3A_1139] {strides = array<i32>} : memref<1x128xi32, #tpu.memory_space<vmem>>, vector<1x16xi32>,
      %swap3A_1141 = vector.shape_cast %swap3A_1140 : vector<1x16xi32> to vector<16xi32>
      %swap3A_1142 = vector.shape_cast %add3A_1131 : vector<16xi32> to vector<1x16xi32>
      tpu.vector_store %swap3A_1137[%swap3A_1138, %swap3A_1139], %swap3A_1142 {strides = array<i32>} : memref<1x128xi32, #tpu.memory_space<vmem>>, vector<1x16xi32>,
      %get3A_1143 = arith.constant 3 : i32
      %get3A_1144 = arith.constant 0 : i32
      %get3A_1145 = arith.constant 0 : i32
      %get3A_1146 = arith.constant 0 : i32
      %get3A_1147 = tpu.memref_slice %arg5[%get3A_1143, %get3A_1145, %get3A_1146] : memref<4x1x128xi32, #tpu.memory_space<vmem>> -> memref<1x1x128xi32, #tpu.memory_space<vmem>>
      %get3A_1148 = tpu.memref_squeeze %get3A_1147 : memref<1x1x128xi32, #tpu.memory_space<vmem>> -> memref<1x128xi32, #tpu.memory_space<vmem>>
      %get3A_1149 = arith.index_cast %get3A_1144 : i32 to index
      %get3A_1150 = arith.constant 80 : index
      %get3A_1151 = tpu.vector_load %get3A_1148[%get3A_1149, %get3A_1150] {strides = array<i32>} : memref<1x128xi32, #tpu.memory_space<vmem>>, vector<1x16xi32>,
      %get3A_1152 = vector.shape_cast %get3A_1151 : vector<1x16xi32> to vector<16xi32>
      %add3A_1153 = vector.broadcast %mul3A_4 : i32 to vector<16xi32>
      %add3A_1154 = arith.addi %get3A_1152, %add3A_1153 : vector<16xi32>
      %swap3A_1155 = arith.constant 3 : i32
      %swap3A_1156 = arith.constant 0 : i32
      %swap3A_1157 = arith.constant 0 : i32
      %swap3A_1158 = arith.constant 0 : i32
      %swap3A_1159 = tpu.memref_slice %arg5[%swap3A_1155, %swap3A_1157, %swap3A_1158] : memref<4x1x128xi32, #tpu.memory_space<vmem>> -> memref<1x1x128xi32, #tpu.memory_space<vmem>>
      %swap3A_1160 = tpu.memref_squeeze %swap3A_1159 : memref<1x1x128xi32, #tpu.memory_space<vmem>> -> memref<1x128xi32, #tpu.memory_space<vmem>>
      %swap3A_1161 = arith.index_cast %swap3A_1156 : i32 to index
      %swap3A_1162 = arith.constant 80 : index
      %swap3A_1163 = tpu.vector_load %swap3A_1160[%swap3A_1161, %swap3A_1162] {strides = array<i32>} : memref<1x128xi32, #tpu.memory_space<vmem>>, vector<1x16xi32>,
      %swap3A_1164 = vector.shape_cast %swap3A_1163 : vector<1x16xi32> to vector<16xi32>
      %swap3A_1165 = vector.shape_cast %add3A_1154 : vector<16xi32> to vector<1x16xi32>
      tpu.vector_store %swap3A_1160[%swap3A_1161, %swap3A_1162], %swap3A_1165 {strides = array<i32>} : memref<1x128xi32, #tpu.memory_space<vmem>>, vector<1x16xi32>,
      %get3A_1166 = arith.constant 3 : i32
      %get3A_1167 = arith.constant 0 : i32
      %get3A_1168 = arith.constant 0 : i32
      %get3A_1169 = arith.constant 0 : i32
      %get3A_1170 = tpu.memref_slice %arg5[%get3A_1166, %get3A_1168, %get3A_1169] : memref<4x1x128xi32, #tpu.memory_space<vmem>> -> memref<1x1x128xi32, #tpu.memory_space<vmem>>
      %get3A_1171 = tpu.memref_squeeze %get3A_1170 : memref<1x1x128xi32, #tpu.memory_space<vmem>> -> memref<1x128xi32, #tpu.memory_space<vmem>>
      %get3A_1172 = arith.index_cast %get3A_1167 : i32 to index
      %get3A_1173 = arith.constant 96 : index
      %get3A_1174 = tpu.vector_load %get3A_1171[%get3A_1172, %get3A_1173] {strides = array<i32>} : memref<1x128xi32, #tpu.memory_space<vmem>>, vector<1x16xi32>,
      %get3A_1175 = vector.shape_cast %get3A_1174 : vector<1x16xi32> to vector<16xi32>
      %add3A_1176 = vector.broadcast %mul3A_4 : i32 to vector<16xi32>
      %add3A_1177 = arith.addi %get3A_1175, %add3A_1176 : vector<16xi32>
      %swap3A_1178 = arith.constant 3 : i32
      %swap3A_1179 = arith.constant 0 : i32
      %swap3A_1180 = arith.constant 0 : i32
      %swap3A_1181 = arith.constant 0 : i32
      %swap3A_1182 = tpu.memref_slice %arg5[%swap3A_1178, %swap3A_1180, %swap3A_1181] : memref<4x1x128xi32, #tpu.memory_space<vmem>> -> memref<1x1x128xi32, #tpu.memory_space<vmem>>
      %swap3A_1183 = tpu.memref_squeeze %swap3A_1182 : memref<1x1x128xi32, #tpu.memory_space<vmem>> -> memref<1x128xi32, #tpu.memory_space<vmem>>
      %swap3A_1184 = arith.index_cast %swap3A_1179 : i32 to index
      %swap3A_1185 = arith.constant 96 : index
      %swap3A_1186 = tpu.vector_load %swap3A_1183[%swap3A_1184, %swap3A_1185] {strides = array<i32>} : memref<1x128xi32, #tpu.memory_space<vmem>>, vector<1x16xi32>,
      %swap3A_1187 = vector.shape_cast %swap3A_1186 : vector<1x16xi32> to vector<16xi32>
      %swap3A_1188 = vector.shape_cast %add3A_1177 : vector<16xi32> to vector<1x16xi32>
      tpu.vector_store %swap3A_1183[%swap3A_1184, %swap3A_1185], %swap3A_1188 {strides = array<i32>} : memref<1x128xi32, #tpu.memory_space<vmem>>, vector<1x16xi32>,
      %get3A_1189 = arith.constant 3 : i32
      %get3A_1190 = arith.constant 0 : i32
      %get3A_1191 = arith.constant 0 : i32
      %get3A_1192 = arith.constant 0 : i32
      %get3A_1193 = tpu.memref_slice %arg5[%get3A_1189, %get3A_1191, %get3A_1192] : memref<4x1x128xi32, #tpu.memory_space<vmem>> -> memref<1x1x128xi32, #tpu.memory_space<vmem>>
      %get3A_1194 = tpu.memref_squeeze %get3A_1193 : memref<1x1x128xi32, #tpu.memory_space<vmem>> -> memref<1x128xi32, #tpu.memory_space<vmem>>
      %get3A_1195 = arith.index_cast %get3A_1190 : i32 to index
      %get3A_1196 = arith.constant 112 : index
      %get3A_1197 = tpu.vector_load %get3A_1194[%get3A_1195, %get3A_1196] {strides = array<i32>} : memref<1x128xi32, #tpu.memory_space<vmem>>, vector<1x16xi32>,
      %get3A_1198 = vector.shape_cast %get3A_1197 : vector<1x16xi32> to vector<16xi32>
      %add3A_1199 = vector.broadcast %mul3A_4 : i32 to vector<16xi32>
      %add3A_1200 = arith.addi %get3A_1198, %add3A_1199 : vector<16xi32>
      %swap3A_1201 = arith.constant 3 : i32
      %swap3A_1202 = arith.constant 0 : i32
      %swap3A_1203 = arith.constant 0 : i32
      %swap3A_1204 = arith.constant 0 : i32
      %swap3A_1205 = tpu.memref_slice %arg5[%swap3A_1201, %swap3A_1203, %swap3A_1204] : memref<4x1x128xi32, #tpu.memory_space<vmem>> -> memref<1x1x128xi32, #tpu.memory_space<vmem>>
      %swap3A_1206 = tpu.memref_squeeze %swap3A_1205 : memref<1x1x128xi32, #tpu.memory_space<vmem>> -> memref<1x128xi32, #tpu.memory_space<vmem>>
      %swap3A_1207 = arith.index_cast %swap3A_1202 : i32 to index
      %swap3A_1208 = arith.constant 112 : index
      %swap3A_1209 = tpu.vector_load %swap3A_1206[%swap3A_1207, %swap3A_1208] {strides = array<i32>} : memref<1x128xi32, #tpu.memory_space<vmem>>, vector<1x16xi32>,
      %swap3A_1210 = vector.shape_cast %swap3A_1209 : vector<1x16xi32> to vector<16xi32>
      %swap3A_1211 = vector.shape_cast %add3A_1200 : vector<16xi32> to vector<1x16xi32>
      tpu.vector_store %swap3A_1206[%swap3A_1207, %swap3A_1208], %swap3A_1211 {strides = array<i32>} : memref<1x128xi32, #tpu.memory_space<vmem>>, vector<1x16xi32>,
      %dma_start3A_1212 = arith.constant 3 : i32
      %dma_start3A_1213 = arith.constant 0 : i32
      %dma_start3A_1214 = arith.constant 3 : i32
      %dma_start3A_1215 = arith.constant 3 : i32
      %dma_start3A_1216 = arith.constant 0 : i32
      %dma_start3A_1217 = arith.constant 0 : i32
      %dma_start3A_1218 = tpu.memref_slice %arg6[%dma_start3A_1214, %dma_start3A_1216, %dma_start3A_1217] : memref<4x128x128xf32, #tpu.memory_space<vmem>> -> memref<1x128x128xf32, #tpu.memory_space<vmem>>
      %dma_start3A_1219 = tpu.memref_squeeze %dma_start3A_1218 : memref<1x128x128xf32, #tpu.memory_space<vmem>> -> memref<128x128xf32, #tpu.memory_space<vmem>>
      %dma_start3A_1220 = arith.constant 0 : i32
      %dma_start3A_1221 = arith.constant 0 : i32
      %dma_start3A_1222 = tpu.memref_slice %arg5[%dma_start3A_1212, %dma_start3A_1220, %dma_start3A_1221] : memref<4x1x128xi32, #tpu.memory_space<vmem>> -> memref<1x1x128xi32, #tpu.memory_space<vmem>>
      %dma_start3A_1223 = tpu.memref_squeeze %dma_start3A_1222 : memref<1x1x128xi32, #tpu.memory_space<vmem>> -> memref<1x128xi32, #tpu.memory_space<vmem>>
      %dma_start3A_1224 = arith.constant 0 : i32
      %dma_start3A_1225 = tpu.memref_slice %dma_start3A_1223[%dma_start3A_1213, %dma_start3A_1224] : memref<1x128xi32, #tpu.memory_space<vmem>> -> memref<1x128xi32, #tpu.memory_space<vmem>>
      %dma_start3A_1226 = tpu.memref_squeeze %dma_start3A_1225 : memref<1x128xi32, #tpu.memory_space<vmem>> -> memref<128xi32, #tpu.memory_space<vmem>>
      %dma_start3A_1227 = arith.constant 0 : i32
      %dma_start3A_1228 = arith.constant 0 : i32
      %dma_start3A_1229 = tpu.memref_slice %arg7[%dma_start3A_1227, %dma_start3A_1228] : memref<4096x128xf32, #tpu.memory_space<vmem_shared>> -> memref<4096x128xf32, #tpu.memory_space<vmem_shared>>
      %dma_start3A_1230 = tpu.memref_slice %arg9[%dma_start3A_1215] : memref<4x!tpu.dma_semaphore, #tpu.memory_space<semaphore_mem>> -> memref<1x!tpu.dma_semaphore, #tpu.memory_space<semaphore_mem>>
      %dma_start3A_1231 = tpu.memref_squeeze %dma_start3A_1230 : memref<1x!tpu.dma_semaphore, #tpu.memory_space<semaphore_mem>> -> memref<!tpu.dma_semaphore, #tpu.memory_space<semaphore_mem>>
      tpu.enqueue_indirect_dma source(%dma_start3A_1229 : memref<4096x128xf32, #tpu.memory_space<vmem_shared>>) target(%dma_start3A_1219 : memref<128x128xf32, #tpu.memory_space<vmem>>) offsets(%dma_start3A_1226 : memref<128xi32, #tpu.memory_space<vmem>>) semaphore(%dma_start3A_1231 : memref<!tpu.dma_semaphore, #tpu.memory_space<semaphore_mem>>)
      %sub3A_1232 = arith.constant 2 : i32
      %sub3A_1233 = arith.subi %add3A_1001, %sub3A_1232 : i32
      %dma_wait3A_1234 = arith.constant 1 : i32
      %dma_wait3A_1235 = arith.constant 1 : i32
      %dma_wait3A_1236 = arith.constant 0 : i32
      %dma_wait3A_1237 = arith.constant 0 : i32
      %dma_wait3A_1238 = tpu.memref_slice %arg6[%dma_wait3A_1234, %dma_wait3A_1236, %dma_wait3A_1237] : memref<4x128x128xf32, #tpu.memory_space<vmem>> -> memref<1x128x128xf32, #tpu.memory_space<vmem>>
      %dma_wait3A_1239 = tpu.memref_squeeze %dma_wait3A_1238 : memref<1x128x128xf32, #tpu.memory_space<vmem>> -> memref<128x128xf32, #tpu.memory_space<vmem>>
      %dma_wait3A_1240 = arith.constant 0 : i32
      %dma_wait3A_1241 = arith.constant 0 : i32
      %dma_wait3A_1242 = tpu.memref_slice %arg4[%dma_wait3A_1240, %dma_wait3A_1241] : memref<3276800x128xf32, #tpu.memory_space<hbm>> -> memref<128x128xf32, #tpu.memory_space<hbm>>
      %dma_wait3A_1243 = tpu.memref_slice %arg9[%dma_wait3A_1235] : memref<4x!tpu.dma_semaphore, #tpu.memory_space<semaphore_mem>> -> memref<1x!tpu.dma_semaphore, #tpu.memory_space<semaphore_mem>>
      %dma_wait3A_1244 = tpu.memref_squeeze %dma_wait3A_1243 : memref<1x!tpu.dma_semaphore, #tpu.memory_space<semaphore_mem>> -> memref<!tpu.dma_semaphore, #tpu.memory_space<semaphore_mem>>
      %dma_wait3A_1245 = arith.constant 0 : i32
      %dma_wait3A_1246 = arith.constant 0 : i32
      %dma_wait3A_1247 = tpu.memref_slice %arg6[%dma_wait3A_1234, %dma_wait3A_1245, %dma_wait3A_1246] : memref<4x128x128xf32, #tpu.memory_space<vmem>> -> memref<1x128x128xf32, #tpu.memory_space<vmem>>
      %dma_wait3A_1248 = tpu.memref_squeeze %dma_wait3A_1247 : memref<1x128x128xf32, #tpu.memory_space<vmem>> -> memref<128x128xf32, #tpu.memory_space<vmem>>
      %dma_wait3A_1249 = arith.constant 0 : i32
      %dma_wait3A_1250 = arith.constant 0 : i32
      %dma_wait3A_1251 = tpu.memref_slice %arg4[%dma_wait3A_1249, %dma_wait3A_1250] : memref<3276800x128xf32, #tpu.memory_space<hbm>> -> memref<128x128xf32, #tpu.memory_space<hbm>>
      tpu.wait_dma2 semaphore(%dma_wait3A_1244 : memref<!tpu.dma_semaphore, #tpu.memory_space<semaphore_mem>>) src(%dma_wait3A_1251 : memref<128x128xf32, #tpu.memory_space<hbm>>) dst(%dma_wait3A_1248 : memref<128x128xf32, #tpu.memory_space<vmem>>)
      %add3A_1252 = arith.addi %mul3A_2, %sub3A_1233 : i32
      %mul3A_1253 = arith.constant 128 : i32
      %mul3A_1254 = arith.muli %add3A_1252, %mul3A_1253 : i32
      %dma_start3A_1255 = arith.constant 1 : i32
      %dma_start3A_1256 = arith.constant 1 : i32
      %dma_start3A_1257 = arith.constant 0 : i32
      %dma_start3A_1258 = arith.constant 0 : i32
      %dma_start3A_1259 = tpu.memref_slice %arg6[%dma_start3A_1255, %dma_start3A_1257, %dma_start3A_1258] : memref<4x128x128xf32, #tpu.memory_space<vmem>> -> memref<1x128x128xf32, #tpu.memory_space<vmem>>
      %dma_start3A_1260 = tpu.memref_squeeze %dma_start3A_1259 : memref<1x128x128xf32, #tpu.memory_space<vmem>> -> memref<128x128xf32, #tpu.memory_space<vmem>>
      %dma_start3A_1261 = arith.constant 0 : i32
      %dma_start3A_1262 = tpu.memref_slice %arg4[%mul3A_1254, %dma_start3A_1261] : memref<3276800x128xf32, #tpu.memory_space<hbm>> -> memref<128x128xf32, #tpu.memory_space<hbm>>
      %dma_start3A_1263 = tpu.memref_slice %arg10[%dma_start3A_1256] : memref<4x!tpu.dma_semaphore, #tpu.memory_space<semaphore_mem>> -> memref<1x!tpu.dma_semaphore, #tpu.memory_space<semaphore_mem>>
      %dma_start3A_1264 = tpu.memref_squeeze %dma_start3A_1263 : memref<1x!tpu.dma_semaphore, #tpu.memory_space<semaphore_mem>> -> memref<!tpu.dma_semaphore, #tpu.memory_space<semaphore_mem>>
      %dma_start3A_1265 = arith.constant 0 : i32
      %dma_start3A_1266 = tpu.memref_slice %arg4[%mul3A_1254, %dma_start3A_1265] : memref<3276800x128xf32, #tpu.memory_space<hbm>> -> memref<128x128xf32, #tpu.memory_space<hbm>>
      %dma_start3A_1267 = arith.constant 0 : i32
      %dma_start3A_1268 = arith.constant 0 : i32
      %dma_start3A_1269 = tpu.memref_slice %arg6[%dma_start3A_1255, %dma_start3A_1267, %dma_start3A_1268] : memref<4x128x128xf32, #tpu.memory_space<vmem>> -> memref<1x128x128xf32, #tpu.memory_space<vmem>>
      %dma_start3A_1270 = tpu.memref_squeeze %dma_start3A_1269 : memref<1x128x128xf32, #tpu.memory_space<vmem>> -> memref<128x128xf32, #tpu.memory_space<vmem>>
      tpu.enqueue_dma source(%dma_start3A_1270 : memref<128x128xf32, #tpu.memory_space<vmem>>) target(%dma_start3A_1266 : memref<128x128xf32, #tpu.memory_space<hbm>>) target_semaphore(%dma_start3A_1264 : memref<!tpu.dma_semaphore, #tpu.memory_space<semaphore_mem>>)
      %lt3A_1271 = arith.constant 199 : i32
      %lt3A_1272 = arith.cmpi slt, %scan3A_246, %lt3A_1271 : i32
      %convert_element_type3A_1273 = arith.extui %lt3A_1272 : i1 to i32
      %cond3A_1274 = arith.constant 0 : i32
      %cond3A_1275 = arith.cmpi ne, %convert_element_type3A_1273, %cond3A_1274 : i32
      scf.if %cond3A_1275 {
        %add3A_1276 = arith.constant 2 : i32
        %add3A_1277 = arith.addi %add3A_1001, %add3A_1276 : i32
        %add3A_1278 = arith.addi %mul3A_2, %add3A_1277 : i32
        %dma_start3A_1279 = arith.constant 1 : i32
        %dma_start3A_1280 = arith.constant 1 : i32
        %dma_start3A_1281 = arith.constant 0 : i32
        %dma_start3A_1282 = arith.constant 0 : i32
        %dma_start3A_1283 = tpu.memref_slice %arg5[%dma_start3A_1279, %dma_start3A_1281, %dma_start3A_1282] : memref<4x1x128xi32, #tpu.memory_space<vmem>> -> memref<1x1x128xi32, #tpu.memory_space<vmem>>
        %dma_start3A_1284 = tpu.memref_squeeze %dma_start3A_1283 : memref<1x1x128xi32, #tpu.memory_space<vmem>> -> memref<1x128xi32, #tpu.memory_space<vmem>>
        %dma_start3A_1285 = arith.constant 0 : i32
        %dma_start3A_1286 = arith.constant 0 : i32
        %dma_start3A_1287 = tpu.memref_slice %arg2[%add3A_1278, %dma_start3A_1285, %dma_start3A_1286] : memref<25600x1x128xi32, #tpu.memory_space<hbm>> -> memref<1x1x128xi32, #tpu.memory_space<hbm>>
        %dma_start3A_1288 = tpu.memref_squeeze %dma_start3A_1287 : memref<1x1x128xi32, #tpu.memory_space<hbm>> -> memref<1x128xi32, #tpu.memory_space<hbm>>
        %dma_start3A_1289 = tpu.memref_slice %arg8[%dma_start3A_1280] : memref<4x!tpu.dma_semaphore, #tpu.memory_space<semaphore_mem>> -> memref<1x!tpu.dma_semaphore, #tpu.memory_space<semaphore_mem>>
        %dma_start3A_1290 = tpu.memref_squeeze %dma_start3A_1289 : memref<1x!tpu.dma_semaphore, #tpu.memory_space<semaphore_mem>> -> memref<!tpu.dma_semaphore, #tpu.memory_space<semaphore_mem>>
        %dma_start3A_1291 = arith.constant 0 : i32
        %dma_start3A_1292 = arith.constant 0 : i32
        %dma_start3A_1293 = tpu.memref_slice %arg5[%dma_start3A_1279, %dma_start3A_1291, %dma_start3A_1292] : memref<4x1x128xi32, #tpu.memory_space<vmem>> -> memref<1x1x128xi32, #tpu.memory_space<vmem>>
        %dma_start3A_1294 = tpu.memref_squeeze %dma_start3A_1293 : memref<1x1x128xi32, #tpu.memory_space<vmem>> -> memref<1x128xi32, #tpu.memory_space<vmem>>
        %dma_start3A_1295 = arith.constant 0 : i32
        %dma_start3A_1296 = arith.constant 0 : i32
        %dma_start3A_1297 = tpu.memref_slice %arg2[%add3A_1278, %dma_start3A_1295, %dma_start3A_1296] : memref<25600x1x128xi32, #tpu.memory_space<hbm>> -> memref<1x1x128xi32, #tpu.memory_space<hbm>>
        %dma_start3A_1298 = tpu.memref_squeeze %dma_start3A_1297 : memref<1x1x128xi32, #tpu.memory_space<hbm>> -> memref<1x128xi32, #tpu.memory_space<hbm>>
        tpu.enqueue_dma source(%dma_start3A_1298 : memref<1x128xi32, #tpu.memory_space<hbm>>) target(%dma_start3A_1294 : memref<1x128xi32, #tpu.memory_space<vmem>>) target_semaphore(%dma_start3A_1290 : memref<!tpu.dma_semaphore, #tpu.memory_space<semaphore_mem>>)
      } else {
      }
    }
    %scan3A_98 = arith.constant 200 : i32
    %dma_wait3A = arith.constant 2 : i32
    %dma_wait3A_99 = arith.constant 2 : i32
    %dma_wait3A_100 = arith.constant 0 : i32
    %dma_wait3A_101 = arith.constant 0 : i32
    %dma_wait3A_102 = tpu.memref_slice %arg6[%dma_wait3A, %dma_wait3A_100, %dma_wait3A_101] : memref<4x128x128xf32, #tpu.memory_space<vmem>> -> memref<1x128x128xf32, #tpu.memory_space<vmem>>
    %dma_wait3A_103 = tpu.memref_squeeze %dma_wait3A_102 : memref<1x128x128xf32, #tpu.memory_space<vmem>> -> memref<128x128xf32, #tpu.memory_space<vmem>>
    %dma_wait3A_104 = arith.constant 0 : i32
    %dma_wait3A_105 = arith.constant 0 : i32
    %dma_wait3A_106 = tpu.memref_slice %arg4[%dma_wait3A_104, %dma_wait3A_105] : memref<3276800x128xf32, #tpu.memory_space<hbm>> -> memref<128x128xf32, #tpu.memory_space<hbm>>
    %dma_wait3A_107 = tpu.memref_slice %arg9[%dma_wait3A_99] : memref<4x!tpu.dma_semaphore, #tpu.memory_space<semaphore_mem>> -> memref<1x!tpu.dma_semaphore, #tpu.memory_space<semaphore_mem>>
    %dma_wait3A_108 = tpu.memref_squeeze %dma_wait3A_107 : memref<1x!tpu.dma_semaphore, #tpu.memory_space<semaphore_mem>> -> memref<!tpu.dma_semaphore, #tpu.memory_space<semaphore_mem>>
    %dma_wait3A_109 = arith.constant 0 : i32
    %dma_wait3A_110 = arith.constant 0 : i32
    %dma_wait3A_111 = tpu.memref_slice %arg6[%dma_wait3A, %dma_wait3A_109, %dma_wait3A_110] : memref<4x128x128xf32, #tpu.memory_space<vmem>> -> memref<1x128x128xf32, #tpu.memory_space<vmem>>
    %dma_wait3A_112 = tpu.memref_squeeze %dma_wait3A_111 : memref<1x128x128xf32, #tpu.memory_space<vmem>> -> memref<128x128xf32, #tpu.memory_space<vmem>>
    %dma_wait3A_113 = arith.constant 0 : i32
    %dma_wait3A_114 = arith.constant 0 : i32
    %dma_wait3A_115 = tpu.memref_slice %arg4[%dma_wait3A_113, %dma_wait3A_114] : memref<3276800x128xf32, #tpu.memory_space<hbm>> -> memref<128x128xf32, #tpu.memory_space<hbm>>
    tpu.wait_dma2 semaphore(%dma_wait3A_108 : memref<!tpu.dma_semaphore, #tpu.memory_space<semaphore_mem>>) src(%dma_wait3A_115 : memref<128x128xf32, #tpu.memory_space<hbm>>) dst(%dma_wait3A_112 : memref<128x128xf32, #tpu.memory_space<vmem>>)
    %add3A_116 = arith.constant 798 : i32
    %add3A_117 = arith.addi %mul3A_2, %add3A_116 : i32
    %mul3A_118 = arith.constant 128 : i32
    %mul3A_119 = arith.muli %add3A_117, %mul3A_118 : i32
    %dma_start3A_120 = arith.constant 2 : i32
    %dma_start3A_121 = arith.constant 2 : i32
    %dma_start3A_122 = arith.constant 0 : i32
    %dma_start3A_123 = arith.constant 0 : i32
    %dma_start3A_124 = tpu.memref_slice %arg6[%dma_start3A_120, %dma_start3A_122, %dma_start3A_123] : memref<4x128x128xf32, #tpu.memory_space<vmem>> -> memref<1x128x128xf32, #tpu.memory_space<vmem>>
    %dma_start3A_125 = tpu.memref_squeeze %dma_start3A_124 : memref<1x128x128xf32, #tpu.memory_space<vmem>> -> memref<128x128xf32, #tpu.memory_space<vmem>>
    %dma_start3A_126 = arith.constant 0 : i32
    %dma_start3A_127 = tpu.memref_slice %arg4[%mul3A_119, %dma_start3A_126] : memref<3276800x128xf32, #tpu.memory_space<hbm>> -> memref<128x128xf32, #tpu.memory_space<hbm>>
    %dma_start3A_128 = tpu.memref_slice %arg10[%dma_start3A_121] : memref<4x!tpu.dma_semaphore, #tpu.memory_space<semaphore_mem>> -> memref<1x!tpu.dma_semaphore, #tpu.memory_space<semaphore_mem>>
    %dma_start3A_129 = tpu.memref_squeeze %dma_start3A_128 : memref<1x!tpu.dma_semaphore, #tpu.memory_space<semaphore_mem>> -> memref<!tpu.dma_semaphore, #tpu.memory_space<semaphore_mem>>
    %dma_start3A_130 = arith.constant 0 : i32
    %dma_start3A_131 = tpu.memref_slice %arg4[%mul3A_119, %dma_start3A_130] : memref<3276800x128xf32, #tpu.memory_space<hbm>> -> memref<128x128xf32, #tpu.memory_space<hbm>>
    %dma_start3A_132 = arith.constant 0 : i32
    %dma_start3A_133 = arith.constant 0 : i32
    %dma_start3A_134 = tpu.memref_slice %arg6[%dma_start3A_120, %dma_start3A_132, %dma_start3A_133] : memref<4x128x128xf32, #tpu.memory_space<vmem>> -> memref<1x128x128xf32, #tpu.memory_space<vmem>>
    %dma_start3A_135 = tpu.memref_squeeze %dma_start3A_134 : memref<1x128x128xf32, #tpu.memory_space<vmem>> -> memref<128x128xf32, #tpu.memory_space<vmem>>
    tpu.enqueue_dma source(%dma_start3A_135 : memref<128x128xf32, #tpu.memory_space<vmem>>) target(%dma_start3A_131 : memref<128x128xf32, #tpu.memory_space<hbm>>) target_semaphore(%dma_start3A_129 : memref<!tpu.dma_semaphore, #tpu.memory_space<semaphore_mem>>)
    %dma_wait3A_136 = arith.constant 3 : i32
    %dma_wait3A_137 = arith.constant 3 : i32
    %dma_wait3A_138 = arith.constant 0 : i32
    %dma_wait3A_139 = arith.constant 0 : i32
    %dma_wait3A_140 = tpu.memref_slice %arg6[%dma_wait3A_136, %dma_wait3A_138, %dma_wait3A_139] : memref<4x128x128xf32, #tpu.memory_space<vmem>> -> memref<1x128x128xf32, #tpu.memory_space<vmem>>
    %dma_wait3A_141 = tpu.memref_squeeze %dma_wait3A_140 : memref<1x128x128xf32, #tpu.memory_space<vmem>> -> memref<128x128xf32, #tpu.memory_space<vmem>>
    %dma_wait3A_142 = arith.constant 0 : i32
    %dma_wait3A_143 = arith.constant 0 : i32
    %dma_wait3A_144 = tpu.memref_slice %arg4[%dma_wait3A_142, %dma_wait3A_143] : memref<3276800x128xf32, #tpu.memory_space<hbm>> -> memref<128x128xf32, #tpu.memory_space<hbm>>
    %dma_wait3A_145 = tpu.memref_slice %arg9[%dma_wait3A_137] : memref<4x!tpu.dma_semaphore, #tpu.memory_space<semaphore_mem>> -> memref<1x!tpu.dma_semaphore, #tpu.memory_space<semaphore_mem>>
    %dma_wait3A_146 = tpu.memref_squeeze %dma_wait3A_145 : memref<1x!tpu.dma_semaphore, #tpu.memory_space<semaphore_mem>> -> memref<!tpu.dma_semaphore, #tpu.memory_space<semaphore_mem>>
    %dma_wait3A_147 = arith.constant 0 : i32
    %dma_wait3A_148 = arith.constant 0 : i32
    %dma_wait3A_149 = tpu.memref_slice %arg6[%dma_wait3A_136, %dma_wait3A_147, %dma_wait3A_148] : memref<4x128x128xf32, #tpu.memory_space<vmem>> -> memref<1x128x128xf32, #tpu.memory_space<vmem>>
    %dma_wait3A_150 = tpu.memref_squeeze %dma_wait3A_149 : memref<1x128x128xf32, #tpu.memory_space<vmem>> -> memref<128x128xf32, #tpu.memory_space<vmem>>
    %dma_wait3A_151 = arith.constant 0 : i32
    %dma_wait3A_152 = arith.constant 0 : i32
    %dma_wait3A_153 = tpu.memref_slice %arg4[%dma_wait3A_151, %dma_wait3A_152] : memref<3276800x128xf32, #tpu.memory_space<hbm>> -> memref<128x128xf32, #tpu.memory_space<hbm>>
    tpu.wait_dma2 semaphore(%dma_wait3A_146 : memref<!tpu.dma_semaphore, #tpu.memory_space<semaphore_mem>>) src(%dma_wait3A_153 : memref<128x128xf32, #tpu.memory_space<hbm>>) dst(%dma_wait3A_150 : memref<128x128xf32, #tpu.memory_space<vmem>>)
    %add3A_154 = arith.constant 799 : i32
    %add3A_155 = arith.addi %mul3A_2, %add3A_154 : i32
    %mul3A_156 = arith.constant 128 : i32
    %mul3A_157 = arith.muli %add3A_155, %mul3A_156 : i32
    %dma_start3A_158 = arith.constant 3 : i32
    %dma_start3A_159 = arith.constant 3 : i32
    %dma_start3A_160 = arith.constant 0 : i32
    %dma_start3A_161 = arith.constant 0 : i32
    %dma_start3A_162 = tpu.memref_slice %arg6[%dma_start3A_158, %dma_start3A_160, %dma_start3A_161] : memref<4x128x128xf32, #tpu.memory_space<vmem>> -> memref<1x128x128xf32, #tpu.memory_space<vmem>>
    %dma_start3A_163 = tpu.memref_squeeze %dma_start3A_162 : memref<1x128x128xf32, #tpu.memory_space<vmem>> -> memref<128x128xf32, #tpu.memory_space<vmem>>
    %dma_start3A_164 = arith.constant 0 : i32
    %dma_start3A_165 = tpu.memref_slice %arg4[%mul3A_157, %dma_start3A_164] : memref<3276800x128xf32, #tpu.memory_space<hbm>> -> memref<128x128xf32, #tpu.memory_space<hbm>>
    %dma_start3A_166 = tpu.memref_slice %arg10[%dma_start3A_159] : memref<4x!tpu.dma_semaphore, #tpu.memory_space<semaphore_mem>> -> memref<1x!tpu.dma_semaphore, #tpu.memory_space<semaphore_mem>>
    %dma_start3A_167 = tpu.memref_squeeze %dma_start3A_166 : memref<1x!tpu.dma_semaphore, #tpu.memory_space<semaphore_mem>> -> memref<!tpu.dma_semaphore, #tpu.memory_space<semaphore_mem>>
    %dma_start3A_168 = arith.constant 0 : i32
    %dma_start3A_169 = tpu.memref_slice %arg4[%mul3A_157, %dma_start3A_168] : memref<3276800x128xf32, #tpu.memory_space<hbm>> -> memref<128x128xf32, #tpu.memory_space<hbm>>
    %dma_start3A_170 = arith.constant 0 : i32
    %dma_start3A_171 = arith.constant 0 : i32
    %dma_start3A_172 = tpu.memref_slice %arg6[%dma_start3A_158, %dma_start3A_170, %dma_start3A_171] : memref<4x128x128xf32, #tpu.memory_space<vmem>> -> memref<1x128x128xf32, #tpu.memory_space<vmem>>
    %dma_start3A_173 = tpu.memref_squeeze %dma_start3A_172 : memref<1x128x128xf32, #tpu.memory_space<vmem>> -> memref<128x128xf32, #tpu.memory_space<vmem>>
    tpu.enqueue_dma source(%dma_start3A_173 : memref<128x128xf32, #tpu.memory_space<vmem>>) target(%dma_start3A_169 : memref<128x128xf32, #tpu.memory_space<hbm>>) target_semaphore(%dma_start3A_167 : memref<!tpu.dma_semaphore, #tpu.memory_space<semaphore_mem>>)
    %dma_wait3A_174 = arith.constant 0 : i32
    %dma_wait3A_175 = arith.constant 0 : i32
    %dma_wait3A_176 = arith.constant 0 : i32
    %dma_wait3A_177 = arith.constant 0 : i32
    %dma_wait3A_178 = tpu.memref_slice %arg6[%dma_wait3A_174, %dma_wait3A_176, %dma_wait3A_177] : memref<4x128x128xf32, #tpu.memory_space<vmem>> -> memref<1x128x128xf32, #tpu.memory_space<vmem>>
    %dma_wait3A_179 = tpu.memref_squeeze %dma_wait3A_178 : memref<1x128x128xf32, #tpu.memory_space<vmem>> -> memref<128x128xf32, #tpu.memory_space<vmem>>
    %dma_wait3A_180 = arith.constant 0 : i32
    %dma_wait3A_181 = arith.constant 0 : i32
    %dma_wait3A_182 = tpu.memref_slice %arg4[%dma_wait3A_180, %dma_wait3A_181] : memref<3276800x128xf32, #tpu.memory_space<hbm>> -> memref<128x128xf32, #tpu.memory_space<hbm>>
    %dma_wait3A_183 = tpu.memref_slice %arg10[%dma_wait3A_175] : memref<4x!tpu.dma_semaphore, #tpu.memory_space<semaphore_mem>> -> memref<1x!tpu.dma_semaphore, #tpu.memory_space<semaphore_mem>>
    %dma_wait3A_184 = tpu.memref_squeeze %dma_wait3A_183 : memref<1x!tpu.dma_semaphore, #tpu.memory_space<semaphore_mem>> -> memref<!tpu.dma_semaphore, #tpu.memory_space<semaphore_mem>>
    %dma_wait3A_185 = arith.constant 0 : i32
    %dma_wait3A_186 = arith.constant 0 : i32
    %dma_wait3A_187 = tpu.memref_slice %arg4[%dma_wait3A_185, %dma_wait3A_186] : memref<3276800x128xf32, #tpu.memory_space<hbm>> -> memref<128x128xf32, #tpu.memory_space<hbm>>
    %dma_wait3A_188 = arith.constant 0 : i32
    %dma_wait3A_189 = arith.constant 0 : i32
    %dma_wait3A_190 = tpu.memref_slice %arg6[%dma_wait3A_174, %dma_wait3A_188, %dma_wait3A_189] : memref<4x128x128xf32, #tpu.memory_space<vmem>> -> memref<1x128x128xf32, #tpu.memory_space<vmem>>
    %dma_wait3A_191 = tpu.memref_squeeze %dma_wait3A_190 : memref<1x128x128xf32, #tpu.memory_space<vmem>> -> memref<128x128xf32, #tpu.memory_space<vmem>>
    tpu.wait_dma2 semaphore(%dma_wait3A_184 : memref<!tpu.dma_semaphore, #tpu.memory_space<semaphore_mem>>) src(%dma_wait3A_191 : memref<128x128xf32, #tpu.memory_space<vmem>>) dst(%dma_wait3A_187 : memref<128x128xf32, #tpu.memory_space<hbm>>)
    %dma_wait3A_192 = arith.constant 1 : i32
    %dma_wait3A_193 = arith.constant 1 : i32
    %dma_wait3A_194 = arith.constant 0 : i32
    %dma_wait3A_195 = arith.constant 0 : i32
    %dma_wait3A_196 = tpu.memref_slice %arg6[%dma_wait3A_192, %dma_wait3A_194, %dma_wait3A_195] : memref<4x128x128xf32, #tpu.memory_space<vmem>> -> memref<1x128x128xf32, #tpu.memory_space<vmem>>
    %dma_wait3A_197 = tpu.memref_squeeze %dma_wait3A_196 : memref<1x128x128xf32, #tpu.memory_space<vmem>> -> memref<128x128xf32, #tpu.memory_space<vmem>>
    %dma_wait3A_198 = arith.constant 0 : i32
    %dma_wait3A_199 = arith.constant 0 : i32
    %dma_wait3A_200 = tpu.memref_slice %arg4[%dma_wait3A_198, %dma_wait3A_199] : memref<3276800x128xf32, #tpu.memory_space<hbm>> -> memref<128x128xf32, #tpu.memory_space<hbm>>
    %dma_wait3A_201 = tpu.memref_slice %arg10[%dma_wait3A_193] : memref<4x!tpu.dma_semaphore, #tpu.memory_space<semaphore_mem>> -> memref<1x!tpu.dma_semaphore, #tpu.memory_space<semaphore_mem>>
    %dma_wait3A_202 = tpu.memref_squeeze %dma_wait3A_201 : memref<1x!tpu.dma_semaphore, #tpu.memory_space<semaphore_mem>> -> memref<!tpu.dma_semaphore, #tpu.memory_space<semaphore_mem>>
    %dma_wait3A_203 = arith.constant 0 : i32
    %dma_wait3A_204 = arith.constant 0 : i32
    %dma_wait3A_205 = tpu.memref_slice %arg4[%dma_wait3A_203, %dma_wait3A_204] : memref<3276800x128xf32, #tpu.memory_space<hbm>> -> memref<128x128xf32, #tpu.memory_space<hbm>>
    %dma_wait3A_206 = arith.constant 0 : i32
    %dma_wait3A_207 = arith.constant 0 : i32
    %dma_wait3A_208 = tpu.memref_slice %arg6[%dma_wait3A_192, %dma_wait3A_206, %dma_wait3A_207] : memref<4x128x128xf32, #tpu.memory_space<vmem>> -> memref<1x128x128xf32, #tpu.memory_space<vmem>>
    %dma_wait3A_209 = tpu.memref_squeeze %dma_wait3A_208 : memref<1x128x128xf32, #tpu.memory_space<vmem>> -> memref<128x128xf32, #tpu.memory_space<vmem>>
    tpu.wait_dma2 semaphore(%dma_wait3A_202 : memref<!tpu.dma_semaphore, #tpu.memory_space<semaphore_mem>>) src(%dma_wait3A_209 : memref<128x128xf32, #tpu.memory_space<vmem>>) dst(%dma_wait3A_205 : memref<128x128xf32, #tpu.memory_space<hbm>>)
    %dma_wait3A_210 = arith.constant 2 : i32
    %dma_wait3A_211 = arith.constant 2 : i32
    %dma_wait3A_212 = arith.constant 0 : i32
    %dma_wait3A_213 = arith.constant 0 : i32
    %dma_wait3A_214 = tpu.memref_slice %arg6[%dma_wait3A_210, %dma_wait3A_212, %dma_wait3A_213] : memref<4x128x128xf32, #tpu.memory_space<vmem>> -> memref<1x128x128xf32, #tpu.memory_space<vmem>>
    %dma_wait3A_215 = tpu.memref_squeeze %dma_wait3A_214 : memref<1x128x128xf32, #tpu.memory_space<vmem>> -> memref<128x128xf32, #tpu.memory_space<vmem>>
    %dma_wait3A_216 = arith.constant 0 : i32
    %dma_wait3A_217 = arith.constant 0 : i32
    %dma_wait3A_218 = tpu.memref_slice %arg4[%dma_wait3A_216, %dma_wait3A_217] : memref<3276800x128xf32, #tpu.memory_space<hbm>> -> memref<128x128xf32, #tpu.memory_space<hbm>>
    %dma_wait3A_219 = tpu.memref_slice %arg10[%dma_wait3A_211] : memref<4x!tpu.dma_semaphore, #tpu.memory_space<semaphore_mem>> -> memref<1x!tpu.dma_semaphore, #tpu.memory_space<semaphore_mem>>
    %dma_wait3A_220 = tpu.memref_squeeze %dma_wait3A_219 : memref<1x!tpu.dma_semaphore, #tpu.memory_space<semaphore_mem>> -> memref<!tpu.dma_semaphore, #tpu.memory_space<semaphore_mem>>
    %dma_wait3A_221 = arith.constant 0 : i32
    %dma_wait3A_222 = arith.constant 0 : i32
    %dma_wait3A_223 = tpu.memref_slice %arg4[%dma_wait3A_221, %dma_wait3A_222] : memref<3276800x128xf32, #tpu.memory_space<hbm>> -> memref<128x128xf32, #tpu.memory_space<hbm>>
    %dma_wait3A_224 = arith.constant 0 : i32
    %dma_wait3A_225 = arith.constant 0 : i32
    %dma_wait3A_226 = tpu.memref_slice %arg6[%dma_wait3A_210, %dma_wait3A_224, %dma_wait3A_225] : memref<4x128x128xf32, #tpu.memory_space<vmem>> -> memref<1x128x128xf32, #tpu.memory_space<vmem>>
    %dma_wait3A_227 = tpu.memref_squeeze %dma_wait3A_226 : memref<1x128x128xf32, #tpu.memory_space<vmem>> -> memref<128x128xf32, #tpu.memory_space<vmem>>
    tpu.wait_dma2 semaphore(%dma_wait3A_220 : memref<!tpu.dma_semaphore, #tpu.memory_space<semaphore_mem>>) src(%dma_wait3A_227 : memref<128x128xf32, #tpu.memory_space<vmem>>) dst(%dma_wait3A_223 : memref<128x128xf32, #tpu.memory_space<hbm>>)
    %dma_wait3A_228 = arith.constant 3 : i32
    %dma_wait3A_229 = arith.constant 3 : i32
    %dma_wait3A_230 = arith.constant 0 : i32
    %dma_wait3A_231 = arith.constant 0 : i32
    %dma_wait3A_232 = tpu.memref_slice %arg6[%dma_wait3A_228, %dma_wait3A_230, %dma_wait3A_231] : memref<4x128x128xf32, #tpu.memory_space<vmem>> -> memref<1x128x128xf32, #tpu.memory_space<vmem>>
    %dma_wait3A_233 = tpu.memref_squeeze %dma_wait3A_232 : memref<1x128x128xf32, #tpu.memory_space<vmem>> -> memref<128x128xf32, #tpu.memory_space<vmem>>
    %dma_wait3A_234 = arith.constant 0 : i32
    %dma_wait3A_235 = arith.constant 0 : i32
    %dma_wait3A_236 = tpu.memref_slice %arg4[%dma_wait3A_234, %dma_wait3A_235] : memref<3276800x128xf32, #tpu.memory_space<hbm>> -> memref<128x128xf32, #tpu.memory_space<hbm>>
    %dma_wait3A_237 = tpu.memref_slice %arg10[%dma_wait3A_229] : memref<4x!tpu.dma_semaphore, #tpu.memory_space<semaphore_mem>> -> memref<1x!tpu.dma_semaphore, #tpu.memory_space<semaphore_mem>>
    %dma_wait3A_238 = tpu.memref_squeeze %dma_wait3A_237 : memref<1x!tpu.dma_semaphore, #tpu.memory_space<semaphore_mem>> -> memref<!tpu.dma_semaphore, #tpu.memory_space<semaphore_mem>>
    %dma_wait3A_239 = arith.constant 0 : i32
    %dma_wait3A_240 = arith.constant 0 : i32
    %dma_wait3A_241 = tpu.memref_slice %arg4[%dma_wait3A_239, %dma_wait3A_240] : memref<3276800x128xf32, #tpu.memory_space<hbm>> -> memref<128x128xf32, #tpu.memory_space<hbm>>
    %dma_wait3A_242 = arith.constant 0 : i32
    %dma_wait3A_243 = arith.constant 0 : i32
    %dma_wait3A_244 = tpu.memref_slice %arg6[%dma_wait3A_228, %dma_wait3A_242, %dma_wait3A_243] : memref<4x128x128xf32, #tpu.memory_space<vmem>> -> memref<1x128x128xf32, #tpu.memory_space<vmem>>
    %dma_wait3A_245 = tpu.memref_squeeze %dma_wait3A_244 : memref<1x128x128xf32, #tpu.memory_space<vmem>> -> memref<128x128xf32, #tpu.memory_space<vmem>>
    tpu.wait_dma2 semaphore(%dma_wait3A_238 : memref<!tpu.dma_semaphore, #tpu.memory_space<semaphore_mem>>) src(%dma_wait3A_245 : memref<128x128xf32, #tpu.memory_space<vmem>>) dst(%dma_wait3A_241 : memref<128x128xf32, #tpu.memory_space<hbm>>)
    return
  }
}

</mosaic_0001>

<sc_bundles>
// kernel: kernel.3.cloned.1.call-start
scs
__scs_entry_jumppad:
0x0: {  	(pc) =	sbr.rel $0x88, $3  }
0x1: {  	(tag) =	ssettag $0x0;
	lr =	simm.s32 $0x1  }
0x2: {  	[smem:$0x3F9F] =	sst lr;
	_ =	strace $0xD0000000  }
0x3: {  	_ = 	snop  }
0x4: {  	_ = 	snop  }
0x5: {  	_ = 	snop  }
0x6: {  	_ = 	snop  }
0x7: {  	_ = 	snop  }
__scs_overlays_trampoline_lowered:
0x8: {  	[smem:$0x3FAE] =	sst s0  }
0x9: {  	[smem:$0x3FAF] =	sst s1  }
0xa: {  	[smem:$0x3FB0] =	sst s2  }
0xb: {  	[smem:$0x3FB1] =	sst s3  }
0xc: {  	[smem:$0x3FB2] =	sst s4  }
0xd: {  	[smem:$0x3FB3] =	sst s5  }
0xe: {  	[smem:$0x3FB4] =	sst s6  }
0xf: {  	[smem:$0x3FB5] =	sst s7  }
0x10: {  	[smem:$0x3FB6] =	sst s8  }
0x11: {  	[smem:$0x3FB7] =	sst s9;
	s0 =	simm.s32 @!p0 $0x0  }
0x12: {  	s1 =	sld [smem:$0x3F9D];
	s0 =	simm.s32 @p0 $0x1  }
0x13: {  	[smem:$0x3FB8] =	sst s0;
	s0 =	simm.s32 @!p1 $0x0  }
0x14: {  	s2 =	sld [smem:$0x3F9C];
	s0 =	simm.s32 @p1 $0x1  }
0x15: {  	[smem:$0x3FB9] =	sst s0;
	s0 =	simm.s32 @!p2 $0x0  }
0x16: {  	s3 =	sld [smem:$0x3FDB];
	s0 =	simm.s32 @p2 $0x1  }
0x17: {  	s4 =	simm.s32 $0x1BF5;
	[smem:$0x3FBB] =	sst s0  }
0x18: {  	s0 =	sld [smem:$0x3F9E];
	_ =	swait.ge [sflag:s4], $0x0  }
0x19: {  	s7 =	sld [smem:$0x3F9F]  }
0x1a: {  	s8 =	sadd.s32 $0xFFFFE003, lr  }
0x1b: {  	s9 =	sadd.s32 $0xFFFFFEF7, lr;
	s5 =	simm.s32 $0xFFFFFFFF;
	p2 =	slt.u32 s8, $0xFFFFF086  }
0x1c: {  	p1 =	slt.u32 s9, $0xF7A;
	s5 =	simm.s32 @!p2 $0x0  }
0x1d: {  	s5 =	simm.s32 @p1 $0x1;
	p0 =	seq.s32 s7, s2  }
0x1e: {  	s7 =	smul.u32 @!p0 $0xF7A, s2;
	p2 =	seq.s32 @!p0 s5, $0x0  }
0x1f: {  	s9 =	smul.u32 $0xF7A, s1;
	s8 =	simm.s32 @!p0 $0x1BF5;
	p2 =	por !p2, p0  }
0x20: {  	[sflag:s8] =	ssyncset.s32 @!p0 $0xFFFFF086;
	s6 =	sadd.s32 @!p0 s3, s7;
	s7 =	simm.s32 @!p0 $0x108  }
0x21: {  	s3 =	sadd.s32 s3, s9;
	s6 =	sadd.s32 @!p0 $0x88, s6;
	s7 =	simm.s32 @p2 $0x1082  }
0x22: {  	[simem:s7], [sflag:s8] =	dma.local @!p0 [hbm:s6], $0xF7A  }
0x23: {  	s9 =	sor.u32 $0xD0000000, s2;
	s6 =	simm.s32 $0x108;
	_ =	swait.ge @!p0 [sflag:s8], $0x0  }
0x24: {  	s3 =	sadd.s32 $0x88, s3;
	s6 =	simm.s32 @!p1 $0x1082;
	[sflag:s4] =	ssyncset.s32 $0xFFFFF086  }
0x25: {  	[simem:s6], [sflag:s4] =	dma.local [hbm:s3], $0xF7A  }
0x26: {  	[smem:$0x3F9F] =	sst s1;
	(tag) =	ssettag s2;
	_ =	strace s9  }
0x27: {  	s1 =	sld [smem:$0x3FAF]  }
0x28: {  	s2 =	sld [smem:$0x3FB0]  }
0x29: {  	s4 =	sld [smem:$0x3FB2]  }
0x2a: {  	p0 =	seq.s32 s5, $0x0;
	s5 =	sld [smem:$0x3FB3]  }
0x2b: {  	s6 =	sld [smem:$0x3FB4]  }
0x2c: {  	s7 =	sld [smem:$0x3FB5]  }
0x2d: {  	s3 =	simm.s32 $0x108;
	s8 =	sld [smem:$0x3FB6]  }
0x2e: {  	s3 =	simm.s32 @!p0 $0x1082;
	s9 =	sld [smem:$0x3FB7]  }
0x2f: {  	lr =	sadd.s32 s0, s3;
	s0 =	sld [smem:$0x3FAE]  }
0x30: {  	s3 =	sld [smem:$0x3FB1]  }
0x31: {  	[smem:$0x3FBA] =	sst s10  }
0x32: {  	s10 =	sld [smem:$0x3FB8];
	_ =	sdelay $0x3  }
0x33: {  	p0 =	seq.s32 s10, $0x1;
	s10 =	sld [smem:$0x3FBA];
	_ =	sdelay $0x3  }
0x34: {  	[smem:$0x3FBA] =	sst s10  }
0x35: {  	s10 =	sld [smem:$0x3FB9];
	_ =	sdelay $0x3  }
0x36: {  	p1 =	seq.s32 s10, $0x1;
	s10 =	sld [smem:$0x3FBA];
	_ =	sdelay $0x3  }
0x37: {  	[smem:$0x3FBA] =	sst s10  }
0x38: {  	s10 =	sld [smem:$0x3FBB]  }
0x39: {  	_ = 	snop;
	(pc) =	sbr.ind lr, $3  }
0x3a: {  	_ = 	snop  }
0x3b: {  	_ = 	snop  }
0x3c: {  	p2 =	seq.s32 s10, $0x1;
	s10 =	sld [smem:$0x3FBA]  }
0x3d: {  	_ =	shalt  }
0x3e: {  	_ =	shalt  }
0x3f: {  	_ =	shalt  }
0x40: {  	_ =	shalt  }
0x41: {  	_ =	shalt  }
0x42: {  	_ =	shalt  }
0x43: {  	_ =	shalt  }
0x44: {  	_ =	shalt  }
0x45: {  	_ =	shalt  }
0x46: {  	_ =	shalt  }
0x47: {  	_ =	shalt  }
0x48: {  	_ =	shalt  }
0x49: {  	_ =	shalt  }
0x4a: {  	_ =	shalt  }
0x4b: {  	_ =	shalt  }
0x4c: {  	_ =	shalt  }
0x4d: {  	_ =	shalt  }
0x4e: {  	_ =	shalt  }
0x4f: {  	_ =	shalt  }
0x50: {  	_ =	shalt  }
0x51: {  	_ =	shalt  }
0x52: {  	_ =	shalt  }
0x53: {  	_ =	shalt  }
0x54: {  	_ =	shalt  }
0x55: {  	_ =	shalt  }
0x56: {  	_ =	shalt  }
0x57: {  	_ =	shalt  }
0x58: {  	_ =	shalt  }
0x59: {  	_ =	shalt  }
0x5a: {  	_ =	shalt  }
0x5b: {  	_ =	shalt  }
0x5c: {  	_ =	shalt  }
0x5d: {  	_ =	shalt  }
0x5e: {  	_ =	shalt  }
0x5f: {  	_ =	shalt  }
0x60: {  	_ =	shalt  }
0x61: {  	_ =	shalt  }
0x62: {  	_ =	shalt  }
0x63: {  	_ =	shalt  }
0x64: {  	_ =	shalt  }
0x65: {  	_ =	shalt  }
0x66: {  	_ =	shalt  }
0x67: {  	_ =	shalt  }
0x68: {  	_ =	shalt  }
0x69: {  	_ =	shalt  }
0x6a: {  	_ =	shalt  }
0x6b: {  	_ =	shalt  }
0x6c: {  	_ =	shalt  }
0x6d: {  	_ =	shalt  }
0x6e: {  	_ =	shalt  }
0x6f: {  	_ =	shalt  }
0x70: {  	_ =	shalt  }
0x71: {  	_ =	shalt  }
0x72: {  	_ =	shalt  }
0x73: {  	_ =	shalt  }
0x74: {  	_ =	shalt  }
0x75: {  	_ =	shalt  }
0x76: {  	_ =	shalt  }
0x77: {  	_ =	shalt  }
0x78: {  	_ =	shalt  }
0x79: {  	_ =	shalt  }
0x7a: {  	_ =	shalt  }
0x7b: {  	_ =	shalt  }
0x7c: {  	_ =	shalt  }
0x7d: {  	_ =	shalt  }
0x7e: {  	_ =	shalt  }
0x7f: {  	_ =	shalt  }
0x80: {  	_ =	shalt  }
0x81: {  	_ =	shalt  }
0x82: {  	_ =	shalt  }
0x83: {  	_ =	shalt  }
0x84: {  	_ =	shalt  }
0x85: {  	_ =	shalt  }
0x86: {  	_ =	shalt  }
0x87: {  	_ =	shalt  }
.Lfunc_end0:
.L_simem_size_0:
called_computation.1_lowered:
.L_overlay_start_0:
0x88: {  	s2 =	sld [smem:$0x3FD9]  }
0x89: {  	s3 =	sld [smem:$0x3FFE];
	_ =	sdelay $0x1  }
0x8a: {  	s1 =	srdreg.scid  }
0x8b: {  	s0 =	sand.u32 $0x1, s1  }
0x8c: {  	s17 =	sshll.u32 s0, $0xA;
	s2 =	sadd.s32 s3, s2  }
0x8d: {  	s2 =	sadd.s32 s2, s17  }
0x8e: {  	[smem:$0x3FC6] =	sst s2  }
0x8f: {  	_ = 	snop  }
0x90: {  	s2 =	sld [smem:$0x3FD0];
	(tm) =	ssettm $0x1  }
0x91: {  	s18 =	sld [smem:$0x3FFB];
	_ =	sdelay $0x3  }
0x92: {  	_ =	strace s18  }
0x93: {  	s3 =	sld [smem:$0x3FFC];
	_ =	sdelay $0x3  }
0x94: {  	_ =	strace s3  }
0x95: {  	s3 =	sld [smem:$0x3FFD];
	_ =	sdelay $0x3  }
0x96: {  	_ =	strace s3  }
0x97: {  	_ =	strace $0x8FFFFFFF  }
0x98: {  	s19 =	sld [smem:$0x3FDB];
	_ =	sdelay $0x1  }
0x99: {  	s4 =	simm.s32 $_scs_section_size  }
0x9a: {  	s5 =	simm.s32 $_size__tile_overlayer_lowered;
	s6 =	simm.s32 $_tile_overlayer_lowered  }
0x9b: {  	s22 =	simm.s32 $0x1BFF;
	s21 =	sshll.u32 s6, $0x1;
	s3 =	sadd.s32 s4, s19  }
0x9c: {  	s7 =	simm.s32 $0x0;
	s20 =	sshll.u32 s5, $0x1;
	s5 =	sadd.s32 s21, s3  }
0x9d: {  	[timem:s7], [sflag:s22] =	dma.local [hbm:s5], s20  }
0x9e: {  	_ =	swait.ge [sflag:s22], s20  }
0x9f: {  	s4 =	ssub.s32 $0x0, s20;
	[sflag:s22] =	ssyncset.done $0x0  }
0xa0: {  	[sflag:s22] =	ssyncadd.s32 s4;
	_ =	sdelay $0x1  }
0xa1: {  	s23 =	simm.s32 $0x1B8B  }
0xa2: {  	_ =	swait.ge [sflag:s23], $0x1  }
0xa3: {  	[sflag:s23] =	ssyncset.done $0x0  }
0xa4: {  	s25 =	simm.s32 $0x1B8E;
	s24 =	sld [smem:$0x3FFE];
	[sflag:s23] =	ssyncadd.s32 $0xFFFFFFFF  }
0xa5: {  	s26 =	simm.s32 $execute0_lowered;
	[smem:$0x3FD2] =	sst s25  }
0xa6: {  	s5 =	sshll.u32 s26, $0x1;
	_ =	strace $0x80000046;
	[dreg:$0x1] =	wrdreg $0xFFFFFFFF  }
0xa7: {  	s28 =	simm.s32 $_size_execute0_lowered;
	s3 =	sadd.s32 s3, s5;
	[dreg:$0x0] =	wrdreg $0x0  }
0xa8: {  	s5 =	sshll.u32 s28, $0x1;
	[dreg:$0x2] =	wrdreg s3  }
0xa9: {  	[dreg:$0x3] =	wrdreg s5  }
0xaa: {  	[dreg:$0x4] =	wrdreg $0xC0  }
0xab: {  	_ =	task [dreg:s7], $0x5FFFF  }
0xac: {  	[dreg:$0x1] =	wrdreg $0xFFFFFFFF  }
0xad: {  	[dreg:$0x0] =	wrdreg $0x60  }
0xae: {  	[dreg:$0x2] =	wrdreg s2  }
0xaf: {  	[dreg:$0x3] =	wrdreg s24  }
0xb0: {  	[dreg:$0x4] =	wrdreg $0x102000  }
0xb1: {  	[dreg:$0x5] =	wrdreg $0x9  }
0xb2: {  	_ =	task.clear_ibuf [dreg:s7], $0x6FFFF;
	_ =	strace $0x90000046  }
0xb3: {  	s29 =	simm.s32 $0x9;
	_ =	strace $0x80000048  }
0xb4: {  	_ =	swait.ge [sflag:s29], $0x1  }
0xb5: {  	[sflag:s29] =	ssyncadd.s32 $0xFFFFFFFF  }
0xb6: {  	_ =	strace $0x90000048  }
0xb7: {  	_ =	sfence  }
0xb8: {  	s30 =	sld [smem:$0x0];
	_ =	sdelay $0x2  }
0xb9: {  	s31 =	sshll.u32 s1, $0xD;
	s1 =	sshrl.u32 s1, $0x2  }
0xba: {  	s3 =	sand.u32 $0x4000, s31;
	s1 =	sadd.s32 s1, s30  }
0xbb: {  	s0 =	sor.u32 s3, s0;
	s1 =	sshll.u32 s1, $0x11  }
0xbc: {  	s0 =	sor.u32 s1, s0  }
0xbd: {  	s0 =	sadd.s32 $0x8F2B, s0  }
0xbe: {  	[sflag:s0] =	ssyncadd.remote.s32 $0x1  }
0xbf: {  	_ =	sfence.sel $0xFFFF  }
0xc0: {  	[dreg:$0x0] =	wrdreg $0xFFFFFFFF;
	(pc) =	sbr.abs _section_cstart, $3  }
0xc1: {  	[dreg:$0x1] =	wrdreg $0xFFFFFFFF  }
0xc2: {  	_ =	task.clear_ibuf [dreg:s7], $0x2FFFF;
	_ =	strace $0x9FFFFFFF  }
0xc3: {  	(tm) =	ssettm $0x7FFFFFFF  }
tec
execute0_lowered:
.L_overlay_start_1:
0x0: {  	(tag) =	ssettag $0x1  }
0x1: {  	s0 =	rddreg [dreg:$0x0]  }
0x2: {  	s3 =	rddreg [dreg:$0x1]  }
0x3: {  	s1 =	rddreg [dreg:$0x2];
	s2 =	simm.s32 $0x0  }
0x4: {  	s4 =	srdreg.scid;
	s6 =	stileid.u32;
	s18 =	simm.s32 $0x80  }
0x5: {  	s28 =	simm.s32 $0xC;
	s29 =	simm.s32 $0xC200;
	s30 =	simm.s32 $0x6  }
0x6: {  	s31 =	simm.s32 $0x7;
	[smem:$0x7FF] =	sst s2;
	s7 =	sand.u32 $0x1, s4  }
0x7: {  	s14 =	sshll.u32 s6, $0x1;
	s15 =	sadd.s32 $0x800, s3;
	s4 =	sadd.s32 $0x10800, s3  }
0x8: {  	s17 =	sshll.u32 s6, $0x8;
	s20 =	smul.u32 $0x640, s6;
	s13 =	sadd.s32 $0x20, s0  }
0x9: {  	s24 =	smul.u32 $0x320000, s6;
	p0 =	sne.s32 s6, $0x0;
	s6 =	simm.s32 $0xA  }
0xa: {  	_ =	strace $0x80000047;
	s5 =	sor.u32 s7, s14;
	s12 =	smul.u32 $0x320, s7  }
0xb: {  	[dreg:$0x4] =	wrdreg s15;
	s8 =	ssub.s32 $0x2, s7;
	s26 =	smul.u32 $0x190000, s7  }
0xc: {  	s7 =	simm.s32 $0xB;
	s9 =	smul.u32 $0x3200, s5;
	s16 =	sshrl.u32 s8, $0x1  }
0xd: {  	s10 =	smul.u32 $0xC80000, s5;
	s3 =	ssub.s32 s8, s16;
	s23 =	sadd.s32 s12, s20  }
0xe: {  	s20 =	simm.s32 $0x180;
	s19 =	sadd.s32 s0, s9;
	s9 =	sadd.s32 s9, s13  }
0xf: {  	s8 =	simm.s32 $0x0;
	s10 =	sshrl.u32 s10, $0x3;
	[dreg:$0x7] =	wrdreg s9  }
0x10: {  	s3 =	smax.u32 s3, $0x1;
	s11 =	sadd.s32 $0x10, s19;
	[dreg:$0x5] =	wrdreg s19  }
0x11: {  	s10 =	sadd.s32 s4, s10;
	s5 =	sadd.s32 $0x30, s19;
	[dreg:$0xb] =	wrdreg s3  }
0x12: {  	s3 =	sshll.u32 s23, $0xB;
	s9 =	sadd.s32 s26, s24;
	s19 =	simm.s32 $0x100  }
0x13: {  	s24 =	simm.s32 $0x8200;
	s26 =	simm.s32 $0x4;
	[dreg:$0x6] =	wrdreg s11  }
0x14: {  	[dreg:$0x8] =	wrdreg s5;
	s21 =	sadd.s32 $0x18F000, s10;
	s22 =	sadd.s32 $0x18F800, s10  }
0x15: {  	s11 =	sshll.u32 s23, $0x4;
	s25 =	sadd.s32 s3, s4;
	s23 =	simm.s32 $0x4200  }
.Ltmp0:
0x16: {  	s3 =	simm.s32 $0x9;
	[dreg:$0x9] =	wrdreg s21;
	(pc) =	sbr.rel .LBB2_1-.Ltmp0, $4  }
0x17: {  	[dreg:$0xa] =	wrdreg s22;
	s12 =	sadd.s32 s11, s0;
	s0 =	sadd.s32 $0x800, s25  }
0x18: {  	s16 =	sadd.s32 s11, s13;
	s21 =	simm.s32 $0x1;
	s22 =	simm.s32 $0x200  }
0x19: {  	s25 =	simm.s32 $0x5;
	[dreg:$0xc] =	wrdreg s0;
	s0 =	sshrl.u32 @!p0 s1, $0x3  }
0x1a: {  	v0 =	vmov s17;
	s14 =	sadd.s32 $0x40, s12;
	[dreg:$0xd] =	wrdreg s0;
	s0 =	simm.s32 $0x8  }
.LBB2_8:
0x1b: {  	_ =	swait.ge [sflag:s31], $0x4000  }
0x1c: {  	[sflag:s31] =	ssyncset.done $0x0  }
0x1d: {  	s5 =	rddreg [dreg:$0x9];
	[sflag:s31] =	ssyncadd.s32 $0xFFFFC000  }
0x1e: {  	[hbm4b:s5+s2] =	stream.linear.scatter [tilespmem:s24], [sflag:$0xB], $0x4000, $0x38;
	[tilespmem:$0x18200] =	vst v63  }
0x1f: {  	_ =	swait.ge [sflag:s0], $0x4000  }
0x20: {  	[sflag:s0] =	ssyncset.done $0x0  }
0x21: {  	s15 =	rddreg [dreg:$0xa];
	[sflag:s0] =	ssyncadd.s32 $0xFFFFC000  }
0x22: {  	[hbm4b:s15+s2] =	stream.linear.scatter [tilespmem:s29], [sflag:$0xC], $0x4000, $0x38;
	[tilespmem:$0x18200] =	vst v63  }
0x23: {  	_ =	swait.ge [sflag:s3], $0x4000  }
0x24: {  	[sflag:s3] =	ssyncset.done $0x0  }
0x25: {  	[sflag:s3] =	ssyncadd.s32 $0xFFFFC000  }
0x26: {  	_ =	swait.ge [sflag:s6], $0x4000  }
0x27: {  	[sflag:s6] =	ssyncset.done $0x0  }
0x28: {  	[sflag:s6] =	ssyncadd.s32 $0xFFFFC000  }
0x29: {  	_ =	swait.ge [sflag:s7], $0x4000  }
0x2a: {  	[sflag:s7] =	ssyncset.done $0x0  }
0x2b: {  	[sflag:s7] =	ssyncadd.s32 $0xFFFFC000  }
0x2c: {  	_ =	swait.ge [sflag:s28], $0x4000  }
0x2d: {  	s8 =	sadd.s32 $0x1, s8;
	s17 =	rddreg [dreg:$0xb]  }
0x2e: {  	p1 =	sne.s32 s8, s17  }
.Ltmp1:
0x2f: {  	_ = 	snop;
	(pc) =	sbr.rel @!p1 .LBB2_9-.Ltmp1, $3  }
0x30: {  	_ =	sdelay $0x1  }
0x31: {  	[sflag:s28] =	ssyncset.done $0x0  }
0x32: {  	[sflag:s28] =	ssyncadd.s32 $0xFFFFC000  }
.LBB2_1:
0x33: {  	s5 =	rddreg [dreg:$0x4]  }
0x34: {  	s11 =	simm.s32 @!p0 $0x1C0D;
	s10 =	rddreg [dreg:$0xd]  }
0x35: {  	[spmem:s10], [sflag:s11] =	dma.local @!p0 [hbm:s5], $0x10000  }
0x36: {  	s11 =	simm.s32 @!p0 $0xD  }
0x37: {  	_ =	swait.ge @!p0 [sflag:s11], $0x10000  }
0x38: {  	[sflag:s11] =	ssyncset.done @!p0 $0x0  }
0x39: {  	[sflag:s11] =	ssyncadd.s32 @!p0 $0xFFFF0000  }
0x3a: {  	[bflag:$0x0] =	sbarrier.arrive $0xFFFF  }
0x3b: {  	s11 =	rddreg [dreg:$0x5]  }
0x3c: {  	s13 =	rddreg [dreg:$0x6]  }
0x3d: {  	[tilespmem:s2], [sflag:$0x1] =	stream.linear.gather [hbm4b:s11+s2], $0x80, $0x38;
	[tilespmem:$0x18200] =	vst v63  }
0x3e: {  	s15 =	rddreg [dreg:$0x7]  }
0x3f: {  	[tilespmem:s18], [sflag:$0x2] =	stream.linear.gather [hbm4b:s13+s2], $0x80, $0x38;
	[tilespmem:$0x18200] =	vst v63  }
0x40: {  	s17 =	rddreg [dreg:$0x8]  }
0x41: {  	[tilespmem:s19], [sflag:$0x3] =	stream.linear.gather [hbm4b:s15+s2], $0x80, $0x38;
	[tilespmem:$0x18200] =	vst v63  }
0x42: {  	s11 =	simm.s32 $0x0;
	s13 =	rddreg [dreg:$0xc];
	s15 =	smov.u32 s9  }
0x43: {  	[tilespmem:s20], [sflag:$0x4] =	stream.linear.gather [hbm4b:s17+s2], $0x80, $0x38;
	[tilespmem:$0x18200] =	vst v63  }
.LBB2_2:
0x44: {  	_ =	swait.ge [sflag:s21], $0x80  }
0x45: {  	p1 =	seq.s32 s11, $0x0;
	[sflag:s21] =	ssyncset.done $0x0  }
0x46: {  	s5 =	simm.s32 @!p1 $0x9;
	[sflag:s21] =	ssyncadd.s32 $0xFFFFFF80  }
0x47: {  	_ =	swait.ge @!p1 [sflag:s5], $0x4000  }
0x48: {  	[sflag:s5] =	ssyncset.done @!p1 $0x0  }
0x49: {  	[sflag:s5] =	ssyncadd.s32 @!p1 $0xFFFFC000  }
0x4a: {  	v1 =	vld [tilespmem:$0x0]  }
0x4b: {  	v2 =	vld [tilespmem:$0x10]  }
0x4c: {  	v3 =	vld [tilespmem:$0x20]  }
0x4d: {  	v4 =	vld [tilespmem:$0x30]  }
0x4e: {  	v5 =	vld [tilespmem:$0x40]  }
0x4f: {  	v6 =	vld [tilespmem:$0x50];
	v1 =	vadd.s32 v0, v1  }
0x50: {  	[tilespmem:$0x0] =	vst v1;
	v1 =	vadd.s32 v0, v2;
	v2 =	vld [tilespmem:$0x60]  }
0x51: {  	[tilespmem:$0x10] =	vst v1;
	v1 =	vadd.s32 v0, v3;
	v3 =	vld [tilespmem:$0x70]  }
0x52: {  	[tilespmem:$0x20] =	vst v1;
	v1 =	vadd.s32 v0, v4  }
0x53: {  	[tilespmem:$0x30] =	vst v1;
	v1 =	vadd.s32 v0, v5  }
0x54: {  	[tilespmem:$0x40] =	vst v1;
	v1 =	vadd.s32 v0, v6  }
0x55: {  	[tilespmem:$0x50] =	vst v1;
	v1 =	vadd.s32 v0, v2  }
0x56: {  	[tilespmem:$0x60] =	vst v1;
	v1 =	vadd.s32 v0, v3  }
0x57: {  	s5 =	simm.s32 @p1 $0x2;
	[tilespmem:$0x70] =	vst v1  }
0x58: {  	[tilespmem:s22], [sflag:$0x5] =	stream.indirect.gather [spmem:s1], $0x80, s2, s18, $0xb8;
	[tilespmem:$0x18200] =	vst v63  }
0x59: {  	_ =	swait.ge @p1 [sflag:s5], $0x80  }
0x5a: {  	[sflag:s5] =	ssyncset.done @p1 $0x0  }
0x5b: {  	[sflag:s5] =	ssyncadd.s32 @p1 $0xFFFFFF80;
	s5 =	simm.s32 @!p1 $0x7  }
0x5c: {  	_ =	swait.ge @!p1 [sflag:s5], $0x4000  }
0x5d: {  	s10 =	sadd.s32 @!p1 $0x1FFFF000, s15;
	[sflag:s5] =	ssyncset.done @!p1 $0x0  }
0x5e: {  	[sflag:s5] =	ssyncadd.s32 @!p1 $0xFFFFC000;
	s5 =	sand.u32 @!p1 $0x1FFFF000, s10  }
0x5f: {  	s17 =	simm.s32 @!p1 $0x8200;
	s10 =	simm.s32 @!p1 $0x0;
	s5 =	sadd.s32 @!p1 s4, s5  }
0x60: {  	[hbm4b:s5+s10] =	stream.linear.scatter @!p1 [tilespmem:s17], [sflag:$0xB], $0x4000, $0x38;
	[tilespmem:$0x18200] =	vst v63  }
0x61: {  	s5 =	sadd.s32 @!p1 s11, s16;
	s17 =	simm.s32 @!p1 $0x100  }
0x62: {  	[tilespmem:s17], [sflag:$0x3] =	stream.linear.gather @!p1 [hbm4b:s5+s10], $0x80, $0x38;
	[tilespmem:$0x18200] =	vst v63  }
0x63: {  	s5 =	simm.s32 @!p1 $0x2  }
0x64: {  	_ =	swait.ge @!p1 [sflag:s5], $0x80  }
0x65: {  	[sflag:s5] =	ssyncset.done @!p1 $0x0  }
0x66: {  	[sflag:s5] =	ssyncadd.s32 @!p1 $0xFFFFFF80;
	s5 =	simm.s32 @!p1 $0xA  }
0x67: {  	_ =	swait.ge @!p1 [sflag:s5], $0x4000  }
0x68: {  	[sflag:s5] =	ssyncset.done @!p1 $0x0  }
0x69: {  	[sflag:s5] =	ssyncadd.s32 @!p1 $0xFFFFC000  }
0x6a: {  	v1 =	vld [tilespmem:$0x80]  }
0x6b: {  	v2 =	vld [tilespmem:$0x90]  }
0x6c: {  	v3 =	vld [tilespmem:$0xA0]  }
0x6d: {  	v58 =	vld [tilespmem:$0xB0]  }
0x6e: {  	v59 =	vld [tilespmem:$0xC0]  }
0x6f: {  	v60 =	vld [tilespmem:$0xD0];
	v1 =	vadd.s32 v0, v1  }
0x70: {  	[tilespmem:$0x80] =	vst v1;
	v1 =	vadd.s32 v0, v2;
	v2 =	vld [tilespmem:$0xE0]  }
0x71: {  	[tilespmem:$0x90] =	vst v1;
	v1 =	vadd.s32 v0, v3;
	v3 =	vld [tilespmem:$0xF0]  }
0x72: {  	[tilespmem:$0xA0] =	vst v1;
	v1 =	vadd.s32 v0, v58  }
0x73: {  	[tilespmem:$0xB0] =	vst v1;
	v1 =	vadd.s32 v0, v59  }
0x74: {  	[tilespmem:$0xC0] =	vst v1;
	v1 =	vadd.s32 v0, v60  }
0x75: {  	[tilespmem:$0xD0] =	vst v1;
	v1 =	vadd.s32 v0, v2  }
0x76: {  	[tilespmem:$0xE0] =	vst v1;
	v1 =	vadd.s32 v0, v3  }
0x77: {  	s5 =	simm.s32 @p1 $0x3;
	[tilespmem:$0xF0] =	vst v1  }
0x78: {  	[tilespmem:s23], [sflag:$0x6] =	stream.indirect.gather [spmem:s1], $0x80, s18, s18, $0xb8;
	[tilespmem:$0x18200] =	vst v63  }
0x79: {  	_ =	swait.ge @p1 [sflag:s5], $0x80  }
0x7a: {  	[sflag:s5] =	ssyncset.done @p1 $0x0  }
0x7b: {  	[sflag:s5] =	ssyncadd.s32 @p1 $0xFFFFFF80;
	s5 =	simm.s32 @!p1 $0x8  }
0x7c: {  	s17 =	sadd.s32 @!p1 $0x1FFFF800, s15;
	_ =	swait.ge @!p1 [sflag:s5], $0x4000  }
0x7d: {  	s17 =	sand.u32 @!p1 $0x1FFFF800, s17;
	[sflag:s5] =	ssyncset.done @!p1 $0x0  }
0x7e: {  	[sflag:s5] =	ssyncadd.s32 @!p1 $0xFFFFC000;
	s5 =	sadd.s32 @!p1 s4, s17;
	s17 =	simm.s32 @!p1 $0xC200  }
0x7f: {  	[hbm4b:s5+s10] =	stream.linear.scatter @!p1 [tilespmem:s17], [sflag:$0xC], $0x4000, $0x38;
	[tilespmem:$0x18200] =	vst v63  }
0x80: {  	s5 =	sadd.s32 @!p1 s11, s12  }
0x81: {  	s17 =	simm.s32 @!p1 $0x180;
	s5 =	sadd.s32 @!p1 $0x30, s5  }
0x82: {  	[tilespmem:s17], [sflag:$0x4] =	stream.linear.gather @!p1 [hbm4b:s5+s10], $0x80, $0x38;
	[tilespmem:$0x18200] =	vst v63  }
0x83: {  	s5 =	simm.s32 @!p1 $0x3  }
0x84: {  	_ =	swait.ge @!p1 [sflag:s5], $0x80  }
0x85: {  	[sflag:s5] =	ssyncset.done @!p1 $0x0  }
0x86: {  	[sflag:s5] =	ssyncadd.s32 @!p1 $0xFFFFFF80;
	s5 =	simm.s32 @!p1 $0xB  }
0x87: {  	_ =	swait.ge @!p1 [sflag:s5], $0x4000  }
0x88: {  	[sflag:s5] =	ssyncset.done @!p1 $0x0  }
0x89: {  	[sflag:s5] =	ssyncadd.s32 @!p1 $0xFFFFC000  }
0x8a: {  	v1 =	vld [tilespmem:$0x100]  }
0x8b: {  	v2 =	vld [tilespmem:$0x110]  }
0x8c: {  	v3 =	vld [tilespmem:$0x120]  }
0x8d: {  	v61 =	vld [tilespmem:$0x130]  }
0x8e: {  	v62 =	vld [tilespmem:$0x140]  }
0x8f: {  	v63 =	vld [tilespmem:$0x150];
	v1 =	vadd.s32 v0, v1  }
0x90: {  	[tilespmem:$0x100] =	vst v1;
	v1 =	vadd.s32 v0, v2;
	v2 =	vld [tilespmem:$0x160]  }
0x91: {  	[tilespmem:$0x110] =	vst v1;
	v1 =	vadd.s32 v0, v3;
	v3 =	vld [tilespmem:$0x170]  }
0x92: {  	[tilespmem:$0x120] =	vst v1;
	v1 =	vadd.s32 v0, v61  }
0x93: {  	[tilespmem:$0x130] =	vst v1;
	v1 =	vadd.s32 v0, v62  }
0x94: {  	[tilespmem:$0x140] =	vst v1;
	v1 =	vadd.s32 v0, v63  }
0x95: {  	[tilespmem:$0x150] =	vst v1;
	v1 =	vadd.s32 v0, v2  }
0x96: {  	[tilespmem:$0x160] =	vst v1;
	v1 =	vadd.s32 v0, v3  }
0x97: {  	p2 =	sne.s32 s11, $0x31C0;
	[tilespmem:$0x170] =	vst v1  }
0x98: {  	[tilespmem:s24], [sflag:$0x7] =	stream.indirect.gather [spmem:s1], $0x80, s19, s18, $0xb8;
	[tilespmem:$0x18200] =	vst v63  }
.Ltmp2:
0x99: {  	_ = 	snop;
	(pc) =	sbr.rel @p2 .LBB2_4-.Ltmp2, $4  }
0x9a: {  	_ =	swait.ge [sflag:s25], $0x4000  }
0x9b: {  	[sflag:s25] =	ssyncset.done $0x0  }
0x9c: {  	s17 =	sadd.s32 s15, s4;
	[sflag:s25] =	ssyncadd.s32 $0xFFFFC000  }
0x9d: {  	[hbm4b:s17+s2] =	stream.linear.scatter [tilespmem:s22], [sflag:$0x9], $0x4000, $0x38;
	[tilespmem:$0x18200] =	vst v63  }
.Ltmp3:
0x9e: {  	(pc) =	sbr.rel .LBB2_5-.Ltmp3, $4  }
0x9f: {  	_ = 	snop  }
0xa0: {  	_ =	swait.ge [sflag:s26], $0x80  }
0xa1: {  	[sflag:s26] =	ssyncset.done $0x0  }
0xa2: {  	[sflag:s26] =	ssyncadd.s32 $0xFFFFFF80  }
.LBB2_4:
.Ltmp4:
0xa3: {  	s5 =	sadd.s32 s11, s14;
	(pc) =	sbr.rel @p1 .LBB2_6-.Ltmp4, $4  }
0xa4: {  	[tilespmem:s2], [sflag:$0x1] =	stream.linear.gather [hbm4b:s5+s2], $0x80, $0x38;
	[tilespmem:$0x18200] =	vst v63  }
0xa5: {  	_ =	swait.ge [sflag:s26], $0x80  }
0xa6: {  	[sflag:s26] =	ssyncset.done $0x0  }
0xa7: {  	[sflag:s26] =	ssyncadd.s32 $0xFFFFFF80  }
.LBB2_5:
0xa8: {  	_ =	swait.ge [sflag:s28], $0x4000  }
0xa9: {  	[sflag:s28] =	ssyncset.done $0x0  }
0xaa: {  	[sflag:s28] =	ssyncadd.s32 $0xFFFFC000  }
.LBB2_6:
0xab: {  	v1 =	vld [tilespmem:$0x180]  }
0xac: {  	v2 =	vld [tilespmem:$0x190]  }
0xad: {  	v3 =	vld [tilespmem:$0x1A0]  }
0xae: {  	v4 =	vld [tilespmem:$0x1B0]  }
0xaf: {  	v5 =	vld [tilespmem:$0x1C0]  }
0xb0: {  	v6 =	vld [tilespmem:$0x1D0];
	v1 =	vadd.s32 v0, v1  }
0xb1: {  	[tilespmem:$0x180] =	vst v1;
	v1 =	vadd.s32 v0, v2;
	v2 =	vld [tilespmem:$0x1E0]  }
0xb2: {  	[tilespmem:$0x190] =	vst v1;
	v1 =	vadd.s32 v0, v3;
	v3 =	vld [tilespmem:$0x1F0]  }
0xb3: {  	[tilespmem:$0x1A0] =	vst v1;
	v1 =	vadd.s32 v0, v4  }
0xb4: {  	[tilespmem:$0x1B0] =	vst v1;
	v1 =	vadd.s32 v0, v5  }
0xb5: {  	[tilespmem:$0x1C0] =	vst v1;
	v1 =	vadd.s32 v0, v6  }
0xb6: {  	[tilespmem:$0x1D0] =	vst v1;
	v1 =	vadd.s32 v0, v2  }
0xb7: {  	[tilespmem:$0x1E0] =	vst v1;
	v1 =	vadd.s32 v0, v3  }
0xb8: {  	p1 =	seq.s32 s11, $0x31C0;
	[tilespmem:$0x1F0] =	vst v1  }
0xb9: {  	[tilespmem:s29], [sflag:$0x8] =	stream.indirect.gather [spmem:s1], $0x80, s20, s18, $0xb8;
	[tilespmem:$0x18200] =	vst v63  }
.Ltmp5:
0xba: {  	_ = 	snop;
	(pc) =	sbr.rel @p1 .LBB2_8-.Ltmp5, $4  }
0xbb: {  	_ =	swait.ge [sflag:s30], $0x4000  }
0xbc: {  	[sflag:s30] =	ssyncset.done $0x0  }
0xbd: {  	[sflag:s30] =	ssyncadd.s32 $0xFFFFC000  }
0xbe: {  	[hbm4b:s13+s2] =	stream.linear.scatter [tilespmem:s23], [sflag:$0xA], $0x4000, $0x38;
	[tilespmem:$0x18200] =	vst v63  }
.Ltmp6:
0xbf: {  	(pc) =	sbr.rel .LBB2_2-.Ltmp6, $4  }
0xc0: {  	_ = 	snop  }
0xc1: {  	s5 =	sadd.s32 s11, s12;
	s11 =	sadd.s32 $0x40, s11  }
0xc2: {  	s13 =	sadd.s32 $0x2000, s13;
	s15 =	sadd.s32 $0x2000, s15;
	s5 =	sadd.s32 $0x50, s5  }
0xc3: {  	[tilespmem:s18], [sflag:$0x2] =	stream.linear.gather [hbm4b:s5+s2], $0x80, $0x38;
	[tilespmem:$0x18200] =	vst v63  }
.LBB2_9:
0xc4: {  	_ =	sfence.sel $0x180000  }
0xc5: {  	[bflag:$0x0] =	sbarrier.arrive $0xFFFF  }
0xc6: {  	_ =	strace $0x90000047  }
0xc7: {  	[bflag:$0x2] =	sbarrier.arrive $0xFFFF  }
0xc8: {  	s0 =	rddreg [dreg:$0x3]  }
0xc9: {  	s0 =	sadd.s32 @!p0 $0x100000, s0  }
0xca: {  	[sflag:s0] =	ssyncadd.tile.s32 @!p0 $0x1;
	_ =	shalt  }
.Lfunc_end2:
_tile_overlayer_lowered:
.L_overlay_start_2:
0xcb: {  	(tag) =	ssettag $0x2  }
0xcc: {  	s0 =	rddreg [dreg:$0x0];
	s2 =	stileid.u32  }
0xcd: {  	s1 =	rddreg [dreg:$0x1];
	p0 =	sne.s32 s2, $0x0  }
0xce: {  	s3 =	rddreg [dreg:$0x2];
	[bflag:$0x3] =	sbarrier.arrive $0xFFFF;
	s2 =	simm.s32 @!p0 $0x1C0D  }
0xcf: {  	[timem:s3], [sflag:s2] =	dma.local @!p0 [hbm:s0], s1  }
0xd0: {  	s0 =	simm.s32 @!p0 $0xD  }
0xd1: {  	_ =	swait.ge @!p0 [sflag:s0], s1  }
0xd2: {  	s1 =	ssub.s32 @!p0 $0x0, s1;
	[sflag:s0] =	ssyncset.done @!p0 $0x0  }
0xd3: {  	[sflag:s0] =	ssyncadd.s32 @!p0 s1  }
0xd4: {  	[bflag:$0x3] =	sbarrier.arrive $0xFFFF  }
0xd5: {  	_ =	shalt  }

// kernel: sparse-core-data-format-call.cloned.1.call-start
scs
called_computation_lowered:
.L_overlay_start_0:
0x0: {  	s2 =	sld [smem:$0x3FD9]  }
0x1: {  	s3 =	sld [smem:$0x3FFE];
	_ =	sdelay $0x1  }
0x2: {  	s1 =	srdreg.scid  }
0x3: {  	s0 =	sand.u32 $0x1, s1  }
0x4: {  	s18 =	sshll.u32 s0, $0xA;
	s2 =	sadd.s32 s3, s2  }
0x5: {  	s2 =	sadd.s32 s2, s18  }
0x6: {  	[smem:$0x3FC6] =	sst s2  }
0x7: {  	_ = 	snop  }
0x8: {  	s2 =	sld [smem:$0x3FD0];
	(tm) =	ssettm $0x1  }
0x9: {  	s19 =	sld [smem:$0x3FFB];
	_ =	sdelay $0x3  }
0xa: {  	_ =	strace s19  }
0xb: {  	s3 =	sld [smem:$0x3FFC];
	_ =	sdelay $0x3  }
0xc: {  	_ =	strace s3  }
0xd: {  	s3 =	sld [smem:$0x3FFD];
	_ =	sdelay $0x3  }
0xe: {  	_ =	strace s3  }
0xf: {  	_ =	strace $0x8FFFFFFF  }
0x10: {  	s20 =	sld [smem:$0x3FDB];
	_ =	sdelay $0x1  }
0x11: {  	s4 =	simm.s32 $_scs_section_size  }
0x12: {  	s5 =	simm.s32 $_size__tile_overlayer_lowered;
	s6 =	simm.s32 $_tile_overlayer_lowered  }
0x13: {  	s23 =	simm.s32 $0x1BFF;
	s22 =	sshll.u32 s6, $0x1;
	s3 =	sadd.s32 s4, s20  }
0x14: {  	s7 =	simm.s32 $0x0;
	s21 =	sshll.u32 s5, $0x1;
	s5 =	sadd.s32 s22, s3  }
0x15: {  	[timem:s7], [sflag:s23] =	dma.local [hbm:s5], s21  }
0x16: {  	_ =	swait.ge [sflag:s23], s21  }
0x17: {  	s4 =	ssub.s32 $0x0, s21;
	[sflag:s23] =	ssyncset.done $0x0  }
0x18: {  	[sflag:s23] =	ssyncadd.s32 s4;
	_ =	sdelay $0x1  }
0x19: {  	s24 =	simm.s32 $0x1B8B  }
0x1a: {  	_ =	swait.ge [sflag:s24], $0x1  }
0x1b: {  	[sflag:s24] =	ssyncset.done $0x0  }
0x1c: {  	s26 =	simm.s32 $0x1B8E;
	s25 =	sld [smem:$0x3FFE];
	[sflag:s24] =	ssyncadd.s32 $0xFFFFFFFF  }
0x1d: {  	s27 =	simm.s32 $execute0_lowered;
	[smem:$0x3FD2] =	sst s26  }
0x1e: {  	s5 =	sshll.u32 s27, $0x1;
	_ =	strace $0x80000049;
	[dreg:$0x1] =	wrdreg $0xFFFFFFFF  }
0x1f: {  	s28 =	simm.s32 $_size_execute0_lowered;
	s3 =	sadd.s32 s3, s5;
	[dreg:$0x0] =	wrdreg $0x0  }
0x20: {  	s5 =	sshll.u32 s28, $0x1;
	[dreg:$0x2] =	wrdreg s3  }
0x21: {  	[dreg:$0x3] =	wrdreg s5  }
0x22: {  	[dreg:$0x4] =	wrdreg $0xC0  }
0x23: {  	_ =	task [dreg:s7], $0x5FFFF  }
0x24: {  	[dreg:$0x1] =	wrdreg $0xFFFFFFFF  }
0x25: {  	[dreg:$0x0] =	wrdreg $0x60  }
0x26: {  	[dreg:$0x2] =	wrdreg s25  }
0x27: {  	[dreg:$0x3] =	wrdreg s2  }
0x28: {  	[dreg:$0x4] =	wrdreg $0x9  }
0x29: {  	_ =	task.clear_ibuf [dreg:s7], $0x5FFFF;
	_ =	strace $0x90000049  }
0x2a: {  	s29 =	simm.s32 $0x9;
	_ =	strace $0x8000004B  }
0x2b: {  	_ =	swait.ge [sflag:s29], $0x1  }
0x2c: {  	[sflag:s29] =	ssyncadd.s32 $0xFFFFFFFF  }
0x2d: {  	_ =	strace $0x9000004B  }
0x2e: {  	_ =	sfence  }
0x2f: {  	s30 =	sld [smem:$0x0];
	_ =	sdelay $0x2  }
0x30: {  	s31 =	sshll.u32 s1, $0xD;
	s1 =	sshrl.u32 s1, $0x2  }
0x31: {  	s3 =	sand.u32 $0x4000, s31;
	s1 =	sadd.s32 s1, s30  }
0x32: {  	s0 =	sor.u32 s3, s0;
	s1 =	sshll.u32 s1, $0x11  }
0x33: {  	s0 =	sor.u32 s1, s0  }
0x34: {  	s0 =	sadd.s32 $0x8F2B, s0  }
0x35: {  	[sflag:s0] =	ssyncadd.remote.s32 $0x1  }
0x36: {  	_ =	sfence.sel $0xFFFF  }
0x37: {  	[dreg:$0x0] =	wrdreg $0xFFFFFFFF;
	(pc) =	sbr.abs _section_cstart, $3  }
0x38: {  	[dreg:$0x1] =	wrdreg $0xFFFFFFFF  }
0x39: {  	_ =	task.clear_ibuf [dreg:s7], $0x2FFFF;
	_ =	strace $0x9FFFFFFF  }
0x3a: {  	(tm) =	ssettm $0x7FFFFFFF  }
0x3b: {  	_ =	shalt  }
tec
execute0_lowered:
.L_overlay_start_1:
0x0: {  	(tag) =	ssettag $0x1  }
0x1: {  	s0 =	srdreg.scid  }
0x2: {  	s1 =	sshll.u32 s0, $0x4  }
0x3: {  	s6 =	rddreg [dreg:$0x0];
	s0 =	stileid.u32;
	s1 =	sand.u32 $0x10, s1  }
0x4: {  	s3 =	rddreg [dreg:$0x1];
	s1 =	sor.u32 s0, s1  }
0x5: {  	s5 =	simm.s32 $0x1;
	s31 =	simm.s32 $0x2;
	s2 =	sshll.u32 s1, $0x7  }
0x6: {  	s15 =	simm.s32 $0x0;
	s8 =	simm.s32 $0x320000;
	s4 =	ssub.s32 $0x4000, s2  }
0x7: {  	s14 =	simm.s32 $0x0;
	s9 =	simm.s32 $0x0;
	s30 =	sand.u32 $0xF80, s4  }
0x8: {  	s10 =	simm.s32 $0x0;
	s11 =	simm.s32 $0x0;
	p0 =	sne.s32 s30, $0x0  }
.Ltmp0:
0x9: {  	s7 =	sshrl.u32 s4, $0xC;
	s5 =	simm.s32 @!p0 $0x0;
	(pc) =	sbr.rel .LBB1_1-.Ltmp0, $4  }
0xa: {  	s13 =	simm.s32 $0x0;
	s1 =	rddreg [dreg:$0x2];
	s5 =	sadd.s32 s5, s7  }
0xb: {  	_ =	strace $0x8000004A;
	s4 =	simm.s32 $0x1;
	s5 =	smul.u32 $0xC8, s5  }
0xc: {  	s6 =	sadd.s32 $0x10800, s6;
	s12 =	smov.u32 s2;
	[sflag:s4] =	ssyncpa.u1 $0x0  }
0xd: {  	[sflag:s31] =	ssyncpa.u1 $0x0;
	p0 =	por $0x0, $0x0;
	s7 =	sor.u32 $0x1, s5  }
.LBB1_4:
0xe: {  	s20 =	sshra.s32 s20, $0x2;
	s27 =	sshll.u32 s9, $0xE  }
0xf: {  	s21 =	sand.u32 $0x78, s10;
	s22 =	sshll.u32 s10, $0x3;
	s24 =	sshll.u32 s9, $0x7  }
0x10: {  	p1 =	sgt.s32 s9, $0xC7;
	s30 =	sshra.s32 s9, $0x1F;
	s25 =	sshra.s32 s10, $0x1F  }
0x11: {  	s19 =	sadd.s32 s20, s19;
	s20 =	sand.u32 $0xFFFE0000, s27;
	s23 =	sand.u32 $0xFFFFFC00, s22  }
0x12: {  	v5 =	vld [tilespmem:s17+$0xFFFFFFD0];
	[tilespmem:s18+$0x2040 ss:$0x81] =	vst.msk $0xffff, v4;
	s22 =	sand.u32 $0x3C00, s22;
	s28 =	sand.u32 $0x380, s24;
	s31 =	sand.u32 s30, s9  }
0x13: {  	v58 =	vld [tilespmem:s17+$0xFFFFFFE0];
	[tilespmem:s18+$0x2850 ss:$0x81] =	vst.msk $0xffff, v3;
	s24 =	smov.u32 s10;
	s25 =	sand.u32 s25, s10;
	s20 =	sadd.s32 s23, s20  }
0x14: {  	v59 =	vld [tilespmem:s17+$0xFFFFFFF0];
	[tilespmem:s18+$0x3060 ss:$0x81] =	vst.msk $0xffff, v2;
	s21 =	sor.u32 s21, s22;
	s22 =	smov.u32 s9;
	s20 =	sshrl.u32 s20, $0xE  }
0x15: {  	v60 =	vld [tilespmem:s17+$0x0];
	[tilespmem:s18+$0x0 ss:$0x81] =	vst.msk $0xffff, v1;
	s22 =	simm.s32 @!p1 $0xC7;
	p1 =	sgt.s32 s10, $0x3F80;
	s29 =	smulhi.u32 $0x147AE15, s20  }
0x16: {  	v61 =	vld [tilespmem:s17+$0x10];
	[tilespmem:s19+$0x3870 ss:$0x81] =	vst.msk $0xffff, v0;
	s21 =	sor.u32 s28, s21;
	s18 =	ssub.s32 s22, s31;
	s24 =	simm.s32 @!p1 $0x3F80  }
0x17: {  	v62 =	vld [tilespmem:s17+$0x20];
	[tilespmem:s19+$0x810 ss:$0x81] =	vst.msk $0xffff, v5;
	s22 =	ssub.s32 s24, s25;
	s26 =	ssub.s32 $0xC8, s18;
	s23 =	smul.u32 $0xC8, s29  }
0x18: {  	v63 =	vld [tilespmem:s17+$0xFFFFFFC0];
	[tilespmem:s19+$0x1020 ss:$0x81] =	vst.msk $0xffff, v58;
	s27 =	sadd.s32 $0xFFFFFF39, s18;
	s18 =	smul.u32 $0x64, s26;
	s28 =	sadd.s32 $0xFFFFC080, s22  }
0x19: {  	[tilespmem:s19+$0x1830 ss:$0x81] =	vst.msk $0xffff, v59;
	p1 =	sgt.s32 s27, $0x0;
	s17 =	ssub.s32 $0x4000, s22;
	p2 =	sgt.s32 s28, $0x7F  }
0x1a: {  	s30 =	sand.u32 $0x7, s10;
	[tilespmem:s19+$0x2040 ss:$0x81] =	vst.msk $0xffff, v60;
	s18 =	simm.s32 @p1 $0x0;
	s17 =	simm.s32 @p2 $0x0  }
0x1b: {  	[tilespmem:s19+$0x2850 ss:$0x81] =	vst.msk $0xffff, v61;
	s29 =	sshrl.u32 s21, $0x3;
	s20 =	ssub.s32 s20, s23;
	s17 =	smul.u32 s17, s18  }
0x1c: {  	[tilespmem:s19+$0x3060 ss:$0x81] =	vst.msk $0xffff, v62;
	s21 =	sshll.u32 s30, $0x12;
	s20 =	sshll.u32 s20, $0xB;
	s18 =	sadd.s32 s3, s29  }
0x1d: {  	[tilespmem:s19+$0x0 ss:$0x81] =	vst.msk $0xffff, v63;
	s31 =	sor.u32 $0x80, s21;
	s18 =	sadd.s32 s20, s18;
	s17 =	sand.u32 $0x3FFFFFFC, s17  }
0x1e: {  	[hbm4b:s18+s31] =	stream.strided.scatter [tilespmem:s16], [sflag:$0x2], s17, s8, s31, $0x20;
	[tilespmem:$0x10100] =	vst v63  }
.LBB1_5:
0x1f: {  	p1 =	slt.u32 s13, $0x2  }
0x20: {  	s17 =	smov.u32 s15;
	p2 =	sgt.s32 @!p1 s15, $0xC7;
	s16 =	sshra.s32 @!p1 s15, $0x1F  }
0x21: {  	p3 =	sgt.s32 @!p1 s14, $0x3F80;
	s18 =	sshra.s32 @!p1 s14, $0x1F;
	p2 =	por !p2, p1  }
0x22: {  	s15 =	sand.u32 @!p1 s16, s15;
	p3 =	por !p3, p1;
	s16 =	smov.u32 s14  }
0x23: {  	s14 =	sand.u32 @!p1 s18, s14;
	s17 =	simm.s32 @p2 $0xC7;
	s16 =	simm.s32 @p3 $0x3F80  }
0x24: {  	s18 =	smov.u32 s12;
	s15 =	ssub.s32 @!p1 s17, s15;
	s14 =	ssub.s32 @!p1 s16, s14  }
0x25: {  	s16 =	sadd.s32 @!p1 $0xFFFFFF39, s15;
	s15 =	ssub.s32 @!p1 $0xC8, s15;
	s17 =	sadd.s32 @!p1 $0xFFFFC080, s14  }
0x26: {  	p2 =	sgt.s32 @!p1 s16, $0x0;
	s15 =	smul.u32 @!p1 $0x64, s15;
	p3 =	sgt.s32 @!p1 s17, $0x7F  }
0x27: {  	s14 =	ssub.s32 @!p1 $0x4000, s14;
	p2 =	por !p2, p1;
	p3 =	por !p3, p1  }
0x28: {  	s16 =	sadd.s32 $0x1, s11;
	s15 =	simm.s32 @!p2 $0x0;
	s14 =	simm.s32 @!p3 $0x0  }
0x29: {  	p2 =	sgt.s32 s16, $0xC7;
	s14 =	smul.u32 @!p1 s14, s15;
	s15 =	sadd.s32 $0x1000, s12  }
0x2a: {  	s18 =	smov.u32 @p2 s15  }
0x2b: {  	s16 =	simm.s32 @p2 $0x0;
	p2 =	sgt.s32 s18, $0x3FFF  }
0x2c: {  	s18 =	smov.u32 @p2 s2;
	p2 =	sne.s32 s13, s7  }
.Ltmp1:
0x2d: {  	p0 =	por !p0, !p0;
	s17 =	simm.s32 @!p1 $0x2;
	(pc) =	sbr.rel @!p2 .LBB1_6-.Ltmp1, $4  }
0x2e: {  	s15 =	smov.u32 s9;
	s9 =	smov.u32 s11;
	s14 =	sand.u32 @!p1 $0x3FFFFFFC, s14  }
0x2f: {  	s11 =	smov.u32 s16;
	_ =	swait.ge @!p1 [sflag:s17], s14;
	s19 =	ssub.s32 @!p1 $0x0, s14  }
0x30: {  	s14 =	smov.u32 s10;
	s13 =	sadd.s32 $0x1, s13;
	[sflag:s17] =	ssyncset.done @!p1 $0x0  }
0x31: {  	s10 =	smov.u32 s12;
	s12 =	smov.u32 s18;
	[sflag:s17] =	ssyncadd.s32 @!p1 s19  }
.LBB1_1:
0x32: {  	p1 =	sge.u32 s13, s5  }
0x33: {  	s16 =	sand.u32 @!p1 $0x1FFFFFF, s11  }
0x34: {  	s17 =	smulhi.u32 @!p1 $0x147AE15, s16;
	_ =	sdelay $0x1  }
0x35: {  	s17 =	smul.u32 @!p1 $0xC8, s17  }
0x36: {  	s18 =	sxor.u32 @!p1 $0xFFFFFFFF, s13;
	s19 =	smul.u32 @!p1 $0xC80, s12  }
0x37: {  	s31 =	sadd.s32 $0xFFFFFFFF, s13;
	s18 =	sshll.u32 @!p1 s18, $0xE;
	s16 =	ssub.s32 @!p1 s16, s17  }
0x38: {  	s17 =	sand.u32 @!p1 $0x4000, s18;
	s18 =	sadd.s32 @!p1 s6, s19;
	s16 =	sshll.u32 @!p1 s16, $0x4  }
0x39: {  	s19 =	simm.s32 @!p1 $0x6400;
	s16 =	sadd.s32 @!p1 s16, s18;
	s18 =	simm.s32 @!p1 $0x80  }
0x3a: {  	[tilespmem:s17], [sflag:$0x1] =	stream.strided.gather @!p1 [hbm4b:s16+s18], $0x4000, s19, s18, $0x38;
	[tilespmem:$0x10100] =	vst v63  }
0x3b: {  	p1 =	sge.u32 s31, s5  }
.Ltmp2:
0x3c: {  	_ = 	snop;
	(pc) =	sbr.rel @p1 .LBB1_5-.Ltmp2, $1  }
0x3d: {  	_ =	sdelay $0x3  }
0x3e: {  	s16 =	simm.s32 $0x1  }
0x3f: {  	_ =	swait.ge [sflag:s4], $0x4000;
	s16 =	simm.s32 @!p0 $0x0  }
0x40: {  	[sflag:s4] =	ssyncset.done $0x0;
	s17 =	sshll.u32 s16, $0xE  }
0x41: {  	[sflag:s4] =	ssyncadd.s32 $0xFFFFC000;
	s17 =	sor.u32 $0x40, s17  }
0x42: {  	s16 =	smul.u32 $0x10200, s16;
	v0 =	vld [tilespmem:s17+$0x30]  }
0x43: {  	v1 =	vld [tilespmem:s17+$0xFFFFFFD0]  }
0x44: {  	s16 =	sshrl.u32 s16, $0x2;
	v5 =	vld [tilespmem:s17+$0xFFFFFFE0]  }
0x45: {  	v6 =	vld [tilespmem:s17+$0xFFFFFFF0];
	s19 =	sor.u32 $0x8000, s16  }
0x46: {  	s31 =	sand.u32 $0x1, s13;
	v4 =	vld [tilespmem:s17+$0x0];
	s18 =	sadd.s32 $0x0, s19  }
0x47: {  	v3 =	vld [tilespmem:s17+$0x10];
	s16 =	smul.u32 $0x10200, s31;
	[tilespmem:s18+$0x3870 ss:$0x81] =	vst.msk $0xffff, v0  }
0x48: {  	v2 =	vld [tilespmem:s17+$0x20];
	[tilespmem:s18+$0x810 ss:$0x81] =	vst.msk $0xffff, v1  }
0x49: {  	s16 =	sshrl.u32 s16, $0x2;
	v1 =	vld [tilespmem:s17+$0xFFFFFFC0];
	[tilespmem:s18+$0x1020 ss:$0x81] =	vst.msk $0xffff, v5;
	s17 =	sadd.s32 $0x80, s17  }
0x4a: {  	s20 =	simm.s32 $0x4;
	s21 =	simm.s32 $0x8;
	s16 =	sor.u32 $0x8000, s16;
	[tilespmem:s18+$0x1830 ss:$0x81] =	vst.msk $0xffff, v6;
	v0 =	vld [tilespmem:s17+$0x30]  }
.LBB1_3:
0x4b: {  	p1 =	sne.s32 s21, $0x1FC;
	v5 =	vld [tilespmem:s17+$0xFFFFFFD0];
	[tilespmem:s18+$0x2040 ss:$0x81] =	vst.msk $0xffff, v4  }
0x4c: {  	v6 =	vld [tilespmem:s17+$0xFFFFFFE0];
	[tilespmem:s18+$0x2850 ss:$0x81] =	vst.msk $0xffff, v3  }
0x4d: {  	s22 =	sshra.s32 s20, $0x2;
	s20 =	smov.u32 s21;
	v7 =	vld [tilespmem:s17+$0xFFFFFFF0];
	[tilespmem:s18+$0x3060 ss:$0x81] =	vst.msk $0xffff, v2  }
.Ltmp3:
0x4e: {  	v4 =	vld [tilespmem:s17+$0x0];
	[tilespmem:s18+$0x0 ss:$0x81] =	vst.msk $0xffff, v1;
	s18 =	sadd.s32 s22, s19;
	(pc) =	sbr.rel @p1 .LBB1_3-.Ltmp3, $4  }
0x4f: {  	v3 =	vld [tilespmem:s17+$0x10];
	[tilespmem:s18+$0x3870 ss:$0x81] =	vst.msk $0xffff, v0  }
0x50: {  	[tilespmem:s18+$0x810 ss:$0x81] =	vst.msk $0xffff, v5;
	v2 =	vld [tilespmem:s17+$0x20]  }
0x51: {  	v1 =	vld [tilespmem:s17+$0xFFFFFFC0];
	[tilespmem:s18+$0x1020 ss:$0x81] =	vst.msk $0xffff, v6;
	s17 =	sadd.s32 $0x80, s17  }
0x52: {  	s21 =	sadd.s32 $0x4, s21;
	v0 =	vld [tilespmem:s17+$0x30];
	[tilespmem:s18+$0x1830 ss:$0x81] =	vst.msk $0xffff, v7  }
.Ltmp4:
0x53: {  	_ = 	snop;
	(pc) =	sbr.rel .LBB1_4-.Ltmp4, $1  }
0x54: {  	_ =	sdelay $0x3  }
.LBB1_6:
0x55: {  	_ =	sfence.sel $0x180000  }
0x56: {  	s2 =	simm.s32 $0x1;
	[bflag:$0x0] =	sbarrier.arrive $0xFFFF  }
0x57: {  	s31 =	simm.s32 $0x2;
	[sflag:s2] =	ssyncpa.u1 $0x1  }
0x58: {  	[sflag:s31] =	ssyncpa.u1 $0x1  }
0x59: {  	p0 =	sne.s32 s0, $0x0;
	_ =	strace $0x9000004A  }
0x5a: {  	s0 =	sadd.s32 @!p0 $0x100000, s1;
	[bflag:$0x2] =	sbarrier.arrive $0xFFFF  }
0x5b: {  	[sflag:s0] =	ssyncadd.tile.s32 @!p0 $0x1;
	_ =	shalt  }
.Lfunc_end1:
_tile_overlayer_lowered:
.L_overlay_start_2:
0x5c: {  	(tag) =	ssettag $0x2  }
0x5d: {  	s0 =	rddreg [dreg:$0x0];
	s2 =	stileid.u32  }
0x5e: {  	s1 =	rddreg [dreg:$0x1];
	p0 =	sne.s32 s2, $0x0  }
0x5f: {  	s3 =	rddreg [dreg:$0x2];
	[bflag:$0x3] =	sbarrier.arrive $0xFFFF;
	s2 =	simm.s32 @!p0 $0x1C01  }
0x60: {  	[timem:s3], [sflag:s2] =	dma.local @!p0 [hbm:s0], s1  }
0x61: {  	s0 =	simm.s32 @!p0 $0x1  }
0x62: {  	_ =	swait.ge @!p0 [sflag:s0], s1  }
0x63: {  	s1 =	ssub.s32 @!p0 $0x0, s1;
	[sflag:s0] =	ssyncset.done @!p0 $0x0  }
0x64: {  	[sflag:s0] =	ssyncadd.s32 @!p0 s1  }
0x65: {  	[bflag:$0x3] =	sbarrier.arrive $0xFFFF  }
0x66: {  	_ =	shalt  }

</sc_bundles>
